<compile_context>
chip_gen: v7x
topology: tpu7x:2x2x1
jax: 0.10.2.dev20260603
libtpu: 0.0.44.dev20260713+nightly
codegen_flags: <defaults>
</compile_context>

<pallas_src>
import functools

import jax
import jax.numpy as jnp
from jax import lax
from jax.experimental import pallas as pl
from jax.experimental.pallas import tpu as pltpu
from jax.experimental.pallas import tpu_sc as plsc

_D = 1024
_V = 11
_NW = 32
_CH = 16
_LANES = 16
_NBUF = 4
_NEB = 2


def _make_sc_kernel(n_rows):
    rows_w = n_rows // _NW
    nch = rows_w // _CH
    mesh = plsc.VectorSubcoreMesh(core_axis_name="c", subcore_axis_name="s")
    xbuf = pltpu.VMEM((_CH, _D), jnp.float32)
    ebuf = pltpu.VMEM((_CH, _D // 2), jnp.int32)
    sem = pltpu.SemaphoreType.DMA

    @functools.partial(
        pl.kernel,
        mesh=mesh,
        out_type=jax.ShapeDtypeStruct((n_rows, _D), jnp.float32),
        scratch_types=(
            [pltpu.VMEM((rows_w,), jnp.int32)]
            + [xbuf] * _NBUF + [ebuf] * _NEB
            + [sem] * _NBUF + [sem] * _NEB + [sem] * _NBUF
        ),
    )
    def k(x_hbm, s_hbm, t_hbm, out_hbm, idx_v, *bufsem):
        xbs = bufsem[:_NBUF]
        ebs = bufsem[_NBUF:_NBUF + _NEB]
        lss = bufsem[_NBUF + _NEB:2 * _NBUF + _NEB]
        gss = bufsem[2 * _NBUF + _NEB:2 * _NBUF + 2 * _NEB]
        sss = bufsem[2 * _NBUF + 2 * _NEB:]
        wid = lax.axis_index("s") * 2 + lax.axis_index("c")
        base = wid * rows_w
        pltpu.sync_copy(s_hbm.at[pl.ds(base, rows_w)], idx_v)

        off = wid * _V

        def shift(j, cc):
            sl = pl.ds(j * _LANES, _LANES)
            idx_v[sl] = idx_v[sl] + off
            return cc

        lax.fori_loop(0, rows_w // _LANES, shift, 0, unroll=8)

        def issue_load(i, b):
            pltpu.async_copy(x_hbm.at[pl.ds(base + i * _CH, _CH)],
                             xbs[b], lss[b])

        def issue_gath(i, e):
            pltpu.async_copy(t_hbm.at[idx_v.at[pl.ds(i * _CH, _CH)]],
                             ebs[e], gss[e])

        for b in range(_NBUF):
            issue_load(b, b)
        for e in range(_NEB):
            issue_gath(e, e)

        def quad(i4, carry):
            for b in range(_NBUF):
                i = i4 * _NBUF + b
                e = b % _NEB
                pltpu.make_async_copy(x_hbm.at[pl.ds(0, _CH)],
                                      xbs[b], lss[b]).wait()
                pltpu.make_async_copy(x_hbm.at[pl.ds(0, _CH)],
                                      ebs[e], gss[e]).wait()
                xb, eb = xbs[b], ebs[e]

                def row(r, rc):
                    def col(c, cc):
                        ev = eb[r, pl.ds(c * _LANES, _LANES)]
                        lo = lax.bitcast_convert_type(ev << 16, jnp.float32)
                        hi = lax.bitcast_convert_type(ev & jnp.int32(-65536),
                                                      jnp.float32)
                        plsc.addupdate(
                            xb.at[r, pl.ds(c * 2 * _LANES, _LANES)], lo)
                        plsc.addupdate(
                            xb.at[r, pl.ds(c * 2 * _LANES + _LANES, _LANES)],
                            hi)
                        return cc
                    lax.fori_loop(0, _D // (2 * _LANES), col, 0, unroll=8)
                    return rc

                lax.fori_loop(0, _CH, row, 0)

                @pl.when(i + _NEB < nch)
                def _():
                    issue_gath(i + _NEB, e)
                pltpu.async_copy(xb, out_hbm.at[pl.ds(base + i * _CH, _CH)],
                                 sss[b])
                jb = (b + _NBUF - 1) % _NBUF

                @pl.when(jnp.logical_and(i >= 1, i + _NBUF - 1 < nch))
                def _():
                    pltpu.make_async_copy(xbs[jb], out_hbm.at[pl.ds(0, _CH)],
                                          sss[jb]).wait()
                    issue_load(i + _NBUF - 1, jb)
            return carry

        lax.fori_loop(0, nch // _NBUF, quad, 0)
        for b in range(_NBUF):
            pltpu.make_async_copy(xbs[b], out_hbm.at[pl.ds(0, _CH)],
                                  sss[b]).wait()

    return k


def kernel(x, scores, score_embeddings):
    B, L, D = x.shape
    n = B * L
    xf = x.reshape(n, D)
    sf = scores.reshape(n).astype(jnp.int32)
    tab_bf = score_embeddings.astype(jnp.bfloat16)
    t2 = (tab_bf.reshape(_V, _D // (2 * _LANES), 2, _LANES)
          .swapaxes(2, 3).reshape(_V, _D))
    t3 = lax.bitcast_convert_type(t2.reshape(_V, _D // 2, 2), jnp.int32)
    t_rep = jnp.tile(t3, (_NW, 1))
    out = _make_sc_kernel(n)(xf, sf, t_rep)
    return out.reshape(B, L, D)

# --- scband reference (transcript-rebuilt; emitter-appended) ---
"""Pipeline reference for scband-score-embedding-90529320665136 (READ-ONLY COPY).

The authoritative reference and input builder live on the scoring server;
editing this copy changes nothing except your own understanding.
"""

import jax, jax.numpy as jnp
import numpy as np


def setup_inputs(seed: int = 0) -> dict:
    key = jax.random.key(seed)
    k1, k2, k3 = jax.random.split(key, 3)
    x = jax.random.normal(k1, (4, 8192, 1024), dtype=jnp.float32)
    scores = jax.random.randint(k2, (4, 8192), 0, 11, dtype=jnp.int64 if jax.config.jax_enable_x64 else jnp.int32)
    score_embeddings = jax.random.normal(k3, (11, 1024), dtype=jnp.float32) * 0.02
    return {"x": x, "scores": scores, "score_embeddings": score_embeddings}


def reference(x, scores, score_embeddings):
    # gather: score_embeddings[scores] -> [B, L, d_model]
    emb = jnp.take(score_embeddings, scores, axis=0)
    return x + emb

if __name__ == "__main__":
    import jax
    _d = setup_inputs()
    print(jax.jit(kernel)(*tuple(_d.values())))

</pallas_src>

<mosaic_0001>
#map = affine_map<(d0, d1) -> (0, 0)>
#map1 = affine_map<(d0, d1) -> (0)>
module attributes {stable_mosaic.version = 14 : i64} {
  func.func @k(%arg0: i32, %arg1: i32, %arg2: memref<32768x1024xf32, #tpu.memory_space<hbm>>, %arg3: memref<32768xi32, #tpu.memory_space<hbm>>, %arg4: memref<352x512xi32, #tpu.memory_space<hbm>>, %arg5: memref<32768x1024xf32, #tpu.memory_space<hbm>>, %arg6: memref<1024xi32, #tpu.memory_space<vmem>>, %arg7: memref<16x1024xf32, #tpu.memory_space<vmem>>, %arg8: memref<16x1024xf32, #tpu.memory_space<vmem>>, %arg9: memref<16x1024xf32, #tpu.memory_space<vmem>>, %arg10: memref<16x1024xf32, #tpu.memory_space<vmem>>, %arg11: memref<16x512xi32, #tpu.memory_space<vmem>>, %arg12: memref<16x512xi32, #tpu.memory_space<vmem>>, %arg13: memref<!tpu.dma_semaphore, #tpu.memory_space<semaphore_mem>>, %arg14: memref<!tpu.dma_semaphore, #tpu.memory_space<semaphore_mem>>, %arg15: memref<!tpu.dma_semaphore, #tpu.memory_space<semaphore_mem>>, %arg16: memref<!tpu.dma_semaphore, #tpu.memory_space<semaphore_mem>>, %arg17: memref<!tpu.dma_semaphore, #tpu.memory_space<semaphore_mem>>, %arg18: memref<!tpu.dma_semaphore, #tpu.memory_space<semaphore_mem>>, %arg19: memref<!tpu.dma_semaphore, #tpu.memory_space<semaphore_mem>>, %arg20: memref<!tpu.dma_semaphore, #tpu.memory_space<semaphore_mem>>, %arg21: memref<!tpu.dma_semaphore, #tpu.memory_space<semaphore_mem>>, %arg22: memref<!tpu.dma_semaphore, #tpu.memory_space<semaphore_mem>>) attributes {dimension_semantics = [#tpu.dimension_semantics<core_parallel>, #tpu.dimension_semantics<subcore_parallel>], iteration_bounds = array<i64: 2, 16>, scalar_prefetch = 0 : i64, scratch_operands = 17 : i64, tpu.core_type = #tpu.core_type<sc_vector_subcore>, window_params = [{transform_indices = #map}, {transform_indices = #map1}, {transform_indices = #map}, {transform_indices = #map}]} {
    %mul3A = arith.constant 2 : i32
    %mul3A_0 = arith.muli %arg1, %mul3A : i32
    %add3A = arith.addi %mul3A_0, %arg0 : i32
    %mul3A_1 = arith.constant 1024 : i32
    %mul3A_2 = arith.muli %add3A, %mul3A_1 : i32
    "tpu.region"() ({
      %run_scoped3A = tpu.sem_alloc : memref<!tpu.dma_semaphore, #tpu.memory_space<semaphore_mem>>
      %dma_start3A_72 = tpu.memref_slice %arg3[%mul3A_2] : memref<32768xi32, #tpu.memory_space<hbm>> -> memref<1024xi32, #tpu.memory_space<hbm>>
      %dma_start3A_73 = tpu.memref_slice %arg3[%mul3A_2] : memref<32768xi32, #tpu.memory_space<hbm>> -> memref<1024xi32, #tpu.memory_space<hbm>>
      tpu.enqueue_dma source(%dma_start3A_73 : memref<1024xi32, #tpu.memory_space<hbm>>) target(%arg6 : memref<1024xi32, #tpu.memory_space<vmem>>) target_semaphore(%run_scoped3A : memref<!tpu.dma_semaphore, #tpu.memory_space<semaphore_mem>>)
      %dma_wait3A_74 = tpu.memref_slice %arg3[%mul3A_2] : memref<32768xi32, #tpu.memory_space<hbm>> -> memref<1024xi32, #tpu.memory_space<hbm>>
      %dma_wait3A_75 = tpu.memref_slice %arg3[%mul3A_2] : memref<32768xi32, #tpu.memory_space<hbm>> -> memref<1024xi32, #tpu.memory_space<hbm>>
      tpu.wait_dma2 semaphore(%run_scoped3A : memref<!tpu.dma_semaphore, #tpu.memory_space<semaphore_mem>>) src(%dma_wait3A_75 : memref<1024xi32, #tpu.memory_space<hbm>>) dst(%arg6 : memref<1024xi32, #tpu.memory_space<vmem>>)
      tpu.yield
    }) : () -> ()
    %mul3A_3 = arith.constant 11 : i32
    %mul3A_4 = arith.muli %add3A, %mul3A_3 : i32
    %scan3A = arith.constant 0 : i32
    %scan3A_5 = arith.constant 0 : i32
    %scan3A_6 = arith.constant 64 : i32
    %scan3A_7 = arith.addi %scan3A_5, %scan3A_6 : i32
    %scan3A_8 = arith.constant 8 : i32
    scf.for %scan3A_72 = %scan3A_5 to %scan3A_7 step %scan3A_8  : i32 {
      %mul3A_73 = arith.constant 16 : i32
      %mul3A_74 = arith.muli %scan3A_72, %mul3A_73 : i32
      %get3A = arith.index_cast %mul3A_74 : i32 to index
      %get3A_75 = tpu.vector_load %arg6[%get3A] {strides = array<i32>} : memref<1024xi32, #tpu.memory_space<vmem>>, vector<16xi32>,
      %get3A_76 = vector.shape_cast %get3A_75 : vector<16xi32> to vector<16xi32>
      %add3A_77 = vector.broadcast %mul3A_4 : i32 to vector<16xi32>
      %add3A_78 = arith.addi %get3A_76, %add3A_77 : vector<16xi32>
      %swap3A = arith.index_cast %mul3A_74 : i32 to index
      %swap3A_79 = tpu.vector_load %arg6[%swap3A] {strides = array<i32>} : memref<1024xi32, #tpu.memory_space<vmem>>, vector<16xi32>,
      %swap3A_80 = vector.shape_cast %swap3A_79 : vector<16xi32> to vector<16xi32>
      %swap3A_81 = vector.shape_cast %add3A_78 : vector<16xi32> to vector<16xi32>
      tpu.vector_store %arg6[%swap3A], %swap3A_81 {strides = array<i32>} : memref<1024xi32, #tpu.memory_space<vmem>>, vector<16xi32>,
      %scan3A_82 = arith.constant 1 : i32
      %scan3A_83 = arith.addi %scan3A_72, %scan3A_82 : i32
      %mul3A_84 = arith.constant 16 : i32
      %mul3A_85 = arith.muli %scan3A_83, %mul3A_84 : i32
      %get3A_86 = arith.index_cast %mul3A_85 : i32 to index
      %get3A_87 = tpu.vector_load %arg6[%get3A_86] {strides = array<i32>} : memref<1024xi32, #tpu.memory_space<vmem>>, vector<16xi32>,
      %get3A_88 = vector.shape_cast %get3A_87 : vector<16xi32> to vector<16xi32>
      %add3A_89 = vector.broadcast %mul3A_4 : i32 to vector<16xi32>
      %add3A_90 = arith.addi %get3A_88, %add3A_89 : vector<16xi32>
      %swap3A_91 = arith.index_cast %mul3A_85 : i32 to index
      %swap3A_92 = tpu.vector_load %arg6[%swap3A_91] {strides = array<i32>} : memref<1024xi32, #tpu.memory_space<vmem>>, vector<16xi32>,
      %swap3A_93 = vector.shape_cast %swap3A_92 : vector<16xi32> to vector<16xi32>
      %swap3A_94 = vector.shape_cast %add3A_90 : vector<16xi32> to vector<16xi32>
      tpu.vector_store %arg6[%swap3A_91], %swap3A_94 {strides = array<i32>} : memref<1024xi32, #tpu.memory_space<vmem>>, vector<16xi32>,
      %scan3A_95 = arith.constant 2 : i32
      %scan3A_96 = arith.addi %scan3A_72, %scan3A_95 : i32
      %mul3A_97 = arith.constant 16 : i32
      %mul3A_98 = arith.muli %scan3A_96, %mul3A_97 : i32
      %get3A_99 = arith.index_cast %mul3A_98 : i32 to index
      %get3A_100 = tpu.vector_load %arg6[%get3A_99] {strides = array<i32>} : memref<1024xi32, #tpu.memory_space<vmem>>, vector<16xi32>,
      %get3A_101 = vector.shape_cast %get3A_100 : vector<16xi32> to vector<16xi32>
      %add3A_102 = vector.broadcast %mul3A_4 : i32 to vector<16xi32>
      %add3A_103 = arith.addi %get3A_101, %add3A_102 : vector<16xi32>
      %swap3A_104 = arith.index_cast %mul3A_98 : i32 to index
      %swap3A_105 = tpu.vector_load %arg6[%swap3A_104] {strides = array<i32>} : memref<1024xi32, #tpu.memory_space<vmem>>, vector<16xi32>,
      %swap3A_106 = vector.shape_cast %swap3A_105 : vector<16xi32> to vector<16xi32>
      %swap3A_107 = vector.shape_cast %add3A_103 : vector<16xi32> to vector<16xi32>
      tpu.vector_store %arg6[%swap3A_104], %swap3A_107 {strides = array<i32>} : memref<1024xi32, #tpu.memory_space<vmem>>, vector<16xi32>,
      %scan3A_108 = arith.constant 3 : i32
      %scan3A_109 = arith.addi %scan3A_72, %scan3A_108 : i32
      %mul3A_110 = arith.constant 16 : i32
      %mul3A_111 = arith.muli %scan3A_109, %mul3A_110 : i32
      %get3A_112 = arith.index_cast %mul3A_111 : i32 to index
      %get3A_113 = tpu.vector_load %arg6[%get3A_112] {strides = array<i32>} : memref<1024xi32, #tpu.memory_space<vmem>>, vector<16xi32>,
      %get3A_114 = vector.shape_cast %get3A_113 : vector<16xi32> to vector<16xi32>
      %add3A_115 = vector.broadcast %mul3A_4 : i32 to vector<16xi32>
      %add3A_116 = arith.addi %get3A_114, %add3A_115 : vector<16xi32>
      %swap3A_117 = arith.index_cast %mul3A_111 : i32 to index
      %swap3A_118 = tpu.vector_load %arg6[%swap3A_117] {strides = array<i32>} : memref<1024xi32, #tpu.memory_space<vmem>>, vector<16xi32>,
      %swap3A_119 = vector.shape_cast %swap3A_118 : vector<16xi32> to vector<16xi32>
      %swap3A_120 = vector.shape_cast %add3A_116 : vector<16xi32> to vector<16xi32>
      tpu.vector_store %arg6[%swap3A_117], %swap3A_120 {strides = array<i32>} : memref<1024xi32, #tpu.memory_space<vmem>>, vector<16xi32>,
      %scan3A_121 = arith.constant 4 : i32
      %scan3A_122 = arith.addi %scan3A_72, %scan3A_121 : i32
      %mul3A_123 = arith.constant 16 : i32
      %mul3A_124 = arith.muli %scan3A_122, %mul3A_123 : i32
      %get3A_125 = arith.index_cast %mul3A_124 : i32 to index
      %get3A_126 = tpu.vector_load %arg6[%get3A_125] {strides = array<i32>} : memref<1024xi32, #tpu.memory_space<vmem>>, vector<16xi32>,
      %get3A_127 = vector.shape_cast %get3A_126 : vector<16xi32> to vector<16xi32>
      %add3A_128 = vector.broadcast %mul3A_4 : i32 to vector<16xi32>
      %add3A_129 = arith.addi %get3A_127, %add3A_128 : vector<16xi32>
      %swap3A_130 = arith.index_cast %mul3A_124 : i32 to index
      %swap3A_131 = tpu.vector_load %arg6[%swap3A_130] {strides = array<i32>} : memref<1024xi32, #tpu.memory_space<vmem>>, vector<16xi32>,
      %swap3A_132 = vector.shape_cast %swap3A_131 : vector<16xi32> to vector<16xi32>
      %swap3A_133 = vector.shape_cast %add3A_129 : vector<16xi32> to vector<16xi32>
      tpu.vector_store %arg6[%swap3A_130], %swap3A_133 {strides = array<i32>} : memref<1024xi32, #tpu.memory_space<vmem>>, vector<16xi32>,
      %scan3A_134 = arith.constant 5 : i32
      %scan3A_135 = arith.addi %scan3A_72, %scan3A_134 : i32
      %mul3A_136 = arith.constant 16 : i32
      %mul3A_137 = arith.muli %scan3A_135, %mul3A_136 : i32
      %get3A_138 = arith.index_cast %mul3A_137 : i32 to index
      %get3A_139 = tpu.vector_load %arg6[%get3A_138] {strides = array<i32>} : memref<1024xi32, #tpu.memory_space<vmem>>, vector<16xi32>,
      %get3A_140 = vector.shape_cast %get3A_139 : vector<16xi32> to vector<16xi32>
      %add3A_141 = vector.broadcast %mul3A_4 : i32 to vector<16xi32>
      %add3A_142 = arith.addi %get3A_140, %add3A_141 : vector<16xi32>
      %swap3A_143 = arith.index_cast %mul3A_137 : i32 to index
      %swap3A_144 = tpu.vector_load %arg6[%swap3A_143] {strides = array<i32>} : memref<1024xi32, #tpu.memory_space<vmem>>, vector<16xi32>,
      %swap3A_145 = vector.shape_cast %swap3A_144 : vector<16xi32> to vector<16xi32>
      %swap3A_146 = vector.shape_cast %add3A_142 : vector<16xi32> to vector<16xi32>
      tpu.vector_store %arg6[%swap3A_143], %swap3A_146 {strides = array<i32>} : memref<1024xi32, #tpu.memory_space<vmem>>, vector<16xi32>,
      %scan3A_147 = arith.constant 6 : i32
      %scan3A_148 = arith.addi %scan3A_72, %scan3A_147 : i32
      %mul3A_149 = arith.constant 16 : i32
      %mul3A_150 = arith.muli %scan3A_148, %mul3A_149 : i32
      %get3A_151 = arith.index_cast %mul3A_150 : i32 to index
      %get3A_152 = tpu.vector_load %arg6[%get3A_151] {strides = array<i32>} : memref<1024xi32, #tpu.memory_space<vmem>>, vector<16xi32>,
      %get3A_153 = vector.shape_cast %get3A_152 : vector<16xi32> to vector<16xi32>
      %add3A_154 = vector.broadcast %mul3A_4 : i32 to vector<16xi32>
      %add3A_155 = arith.addi %get3A_153, %add3A_154 : vector<16xi32>
      %swap3A_156 = arith.index_cast %mul3A_150 : i32 to index
      %swap3A_157 = tpu.vector_load %arg6[%swap3A_156] {strides = array<i32>} : memref<1024xi32, #tpu.memory_space<vmem>>, vector<16xi32>,
      %swap3A_158 = vector.shape_cast %swap3A_157 : vector<16xi32> to vector<16xi32>
      %swap3A_159 = vector.shape_cast %add3A_155 : vector<16xi32> to vector<16xi32>
      tpu.vector_store %arg6[%swap3A_156], %swap3A_159 {strides = array<i32>} : memref<1024xi32, #tpu.memory_space<vmem>>, vector<16xi32>,
      %scan3A_160 = arith.constant 7 : i32
      %scan3A_161 = arith.addi %scan3A_72, %scan3A_160 : i32
      %mul3A_162 = arith.constant 16 : i32
      %mul3A_163 = arith.muli %scan3A_161, %mul3A_162 : i32
      %get3A_164 = arith.index_cast %mul3A_163 : i32 to index
      %get3A_165 = tpu.vector_load %arg6[%get3A_164] {strides = array<i32>} : memref<1024xi32, #tpu.memory_space<vmem>>, vector<16xi32>,
      %get3A_166 = vector.shape_cast %get3A_165 : vector<16xi32> to vector<16xi32>
      %add3A_167 = vector.broadcast %mul3A_4 : i32 to vector<16xi32>
      %add3A_168 = arith.addi %get3A_166, %add3A_167 : vector<16xi32>
      %swap3A_169 = arith.index_cast %mul3A_163 : i32 to index
      %swap3A_170 = tpu.vector_load %arg6[%swap3A_169] {strides = array<i32>} : memref<1024xi32, #tpu.memory_space<vmem>>, vector<16xi32>,
      %swap3A_171 = vector.shape_cast %swap3A_170 : vector<16xi32> to vector<16xi32>
      %swap3A_172 = vector.shape_cast %add3A_168 : vector<16xi32> to vector<16xi32>
      tpu.vector_store %arg6[%swap3A_169], %swap3A_172 {strides = array<i32>} : memref<1024xi32, #tpu.memory_space<vmem>>, vector<16xi32>,
    }
    %scan3A_9 = arith.constant 64 : i32
    %add3A_10 = arith.constant 0 : i32
    %add3A_11 = arith.addi %mul3A_2, %add3A_10 : i32
    %dma_start3A = arith.constant 0 : i32
    %dma_start3A_12 = tpu.memref_slice %arg2[%add3A_11, %dma_start3A] : memref<32768x1024xf32, #tpu.memory_space<hbm>> -> memref<16x1024xf32, #tpu.memory_space<hbm>>
    %dma_start3A_13 = arith.constant 0 : i32
    %dma_start3A_14 = tpu.memref_slice %arg2[%add3A_11, %dma_start3A_13] : memref<32768x1024xf32, #tpu.memory_space<hbm>> -> memref<16x1024xf32, #tpu.memory_space<hbm>>
    tpu.enqueue_dma source(%dma_start3A_14 : memref<16x1024xf32, #tpu.memory_space<hbm>>) target(%arg7 : memref<16x1024xf32, #tpu.memory_space<vmem>>) target_semaphore(%arg13 : memref<!tpu.dma_semaphore, #tpu.memory_space<semaphore_mem>>)
    %add3A_15 = arith.constant 16 : i32
    %add3A_16 = arith.addi %mul3A_2, %add3A_15 : i32
    %dma_start3A_17 = arith.constant 0 : i32
    %dma_start3A_18 = tpu.memref_slice %arg2[%add3A_16, %dma_start3A_17] : memref<32768x1024xf32, #tpu.memory_space<hbm>> -> memref<16x1024xf32, #tpu.memory_space<hbm>>
    %dma_start3A_19 = arith.constant 0 : i32
    %dma_start3A_20 = tpu.memref_slice %arg2[%add3A_16, %dma_start3A_19] : memref<32768x1024xf32, #tpu.memory_space<hbm>> -> memref<16x1024xf32, #tpu.memory_space<hbm>>
    tpu.enqueue_dma source(%dma_start3A_20 : memref<16x1024xf32, #tpu.memory_space<hbm>>) target(%arg8 : memref<16x1024xf32, #tpu.memory_space<vmem>>) target_semaphore(%arg14 : memref<!tpu.dma_semaphore, #tpu.memory_space<semaphore_mem>>)
    %add3A_21 = arith.constant 32 : i32
    %add3A_22 = arith.addi %mul3A_2, %add3A_21 : i32
    %dma_start3A_23 = arith.constant 0 : i32
    %dma_start3A_24 = tpu.memref_slice %arg2[%add3A_22, %dma_start3A_23] : memref<32768x1024xf32, #tpu.memory_space<hbm>> -> memref<16x1024xf32, #tpu.memory_space<hbm>>
    %dma_start3A_25 = arith.constant 0 : i32
    %dma_start3A_26 = tpu.memref_slice %arg2[%add3A_22, %dma_start3A_25] : memref<32768x1024xf32, #tpu.memory_space<hbm>> -> memref<16x1024xf32, #tpu.memory_space<hbm>>
    tpu.enqueue_dma source(%dma_start3A_26 : memref<16x1024xf32, #tpu.memory_space<hbm>>) target(%arg9 : memref<16x1024xf32, #tpu.memory_space<vmem>>) target_semaphore(%arg15 : memref<!tpu.dma_semaphore, #tpu.memory_space<semaphore_mem>>)
    %add3A_27 = arith.constant 48 : i32
    %add3A_28 = arith.addi %mul3A_2, %add3A_27 : i32
    %dma_start3A_29 = arith.constant 0 : i32
    %dma_start3A_30 = tpu.memref_slice %arg2[%add3A_28, %dma_start3A_29] : memref<32768x1024xf32, #tpu.memory_space<hbm>> -> memref<16x1024xf32, #tpu.memory_space<hbm>>
    %dma_start3A_31 = arith.constant 0 : i32
    %dma_start3A_32 = tpu.memref_slice %arg2[%add3A_28, %dma_start3A_31] : memref<32768x1024xf32, #tpu.memory_space<hbm>> -> memref<16x1024xf32, #tpu.memory_space<hbm>>
    tpu.enqueue_dma source(%dma_start3A_32 : memref<16x1024xf32, #tpu.memory_space<hbm>>) target(%arg10 : memref<16x1024xf32, #tpu.memory_space<vmem>>) target_semaphore(%arg16 : memref<!tpu.dma_semaphore, #tpu.memory_space<semaphore_mem>>)
    %dma_start3A_33 = arith.constant 0 : i32
    %dma_start3A_34 = tpu.memref_slice %arg6[%dma_start3A_33] : memref<1024xi32, #tpu.memory_space<vmem>> -> memref<16xi32, #tpu.memory_space<vmem>>
    %dma_start3A_35 = arith.constant 0 : i32
    %dma_start3A_36 = arith.constant 0 : i32
    %dma_start3A_37 = tpu.memref_slice %arg4[%dma_start3A_35, %dma_start3A_36] : memref<352x512xi32, #tpu.memory_space<hbm>> -> memref<352x512xi32, #tpu.memory_space<hbm>>
    tpu.enqueue_indirect_dma source(%dma_start3A_37 : memref<352x512xi32, #tpu.memory_space<hbm>>) target(%arg11 : memref<16x512xi32, #tpu.memory_space<vmem>>) offsets(%dma_start3A_34 : memref<16xi32, #tpu.memory_space<vmem>>) semaphore(%arg17 : memref<!tpu.dma_semaphore, #tpu.memory_space<semaphore_mem>>)
    %dma_start3A_38 = arith.constant 16 : i32
    %dma_start3A_39 = tpu.memref_slice %arg6[%dma_start3A_38] : memref<1024xi32, #tpu.memory_space<vmem>> -> memref<16xi32, #tpu.memory_space<vmem>>
    %dma_start3A_40 = arith.constant 0 : i32
    %dma_start3A_41 = arith.constant 0 : i32
    %dma_start3A_42 = tpu.memref_slice %arg4[%dma_start3A_40, %dma_start3A_41] : memref<352x512xi32, #tpu.memory_space<hbm>> -> memref<352x512xi32, #tpu.memory_space<hbm>>
    tpu.enqueue_indirect_dma source(%dma_start3A_42 : memref<352x512xi32, #tpu.memory_space<hbm>>) target(%arg12 : memref<16x512xi32, #tpu.memory_space<vmem>>) offsets(%dma_start3A_39 : memref<16xi32, #tpu.memory_space<vmem>>) semaphore(%arg18 : memref<!tpu.dma_semaphore, #tpu.memory_space<semaphore_mem>>)
    %scan3A_43 = arith.constant 0 : i32
    %scan3A_44 = arith.constant 0 : i32
    %scan3A_45 = arith.constant 16 : i32
    %scan3A_46 = arith.addi %scan3A_44, %scan3A_45 : i32
    %scan3A_47 = arith.constant 1 : i32
    scf.for %scan3A_72 = %scan3A_44 to %scan3A_46 step %scan3A_47  : i32 {
      %mul3A_73 = arith.constant 4 : i32
      %mul3A_74 = arith.muli %scan3A_72, %mul3A_73 : i32
      %add3A_75 = arith.constant 0 : i32
      %add3A_76 = arith.addi %mul3A_74, %add3A_75 : i32
      %dma_wait3A_77 = arith.constant 0 : i32
      %dma_wait3A_78 = arith.constant 0 : i32
      %dma_wait3A_79 = tpu.memref_slice %arg2[%dma_wait3A_77, %dma_wait3A_78] : memref<32768x1024xf32, #tpu.memory_space<hbm>> -> memref<16x1024xf32, #tpu.memory_space<hbm>>
      %dma_wait3A_80 = arith.constant 0 : i32
      %dma_wait3A_81 = arith.constant 0 : i32
      %dma_wait3A_82 = tpu.memref_slice %arg2[%dma_wait3A_80, %dma_wait3A_81] : memref<32768x1024xf32, #tpu.memory_space<hbm>> -> memref<16x1024xf32, #tpu.memory_space<hbm>>
      tpu.wait_dma2 semaphore(%arg13 : memref<!tpu.dma_semaphore, #tpu.memory_space<semaphore_mem>>) src(%dma_wait3A_82 : memref<16x1024xf32, #tpu.memory_space<hbm>>) dst(%arg7 : memref<16x1024xf32, #tpu.memory_space<vmem>>)
      %dma_wait3A_83 = arith.constant 0 : i32
      %dma_wait3A_84 = arith.constant 0 : i32
      %dma_wait3A_85 = tpu.memref_slice %arg2[%dma_wait3A_83, %dma_wait3A_84] : memref<32768x1024xf32, #tpu.memory_space<hbm>> -> memref<16x1024xf32, #tpu.memory_space<hbm>>
      %dma_wait3A_86 = arith.constant 0 : i32
      %dma_wait3A_87 = arith.constant 0 : i32
      %dma_wait3A_88 = tpu.memref_slice %arg2[%dma_wait3A_86, %dma_wait3A_87] : memref<32768x1024xf32, #tpu.memory_space<hbm>> -> memref<16x1024xf32, #tpu.memory_space<hbm>>
      tpu.wait_dma2 semaphore(%arg17 : memref<!tpu.dma_semaphore, #tpu.memory_space<semaphore_mem>>) src(%dma_wait3A_88 : memref<16x1024xf32, #tpu.memory_space<hbm>>) dst(%arg11 : memref<16x512xi32, #tpu.memory_space<vmem>>)
      %scan3A_89 = arith.constant 0 : i32
      %scan3A_90 = arith.constant 0 : i32
      %scan3A_91 = arith.constant 16 : i32
      %scan3A_92 = arith.addi %scan3A_90, %scan3A_91 : i32
      %scan3A_93 = arith.constant 1 : i32
      scf.for %scan3A_259 = %scan3A_90 to %scan3A_92 step %scan3A_93  : i32 {
        %scan3A_260 = arith.constant 0 : i32
        %scan3A_261 = arith.constant 0 : i32
        %scan3A_262 = arith.constant 32 : i32
        %scan3A_263 = arith.addi %scan3A_261, %scan3A_262 : i32
        %scan3A_264 = arith.constant 8 : i32
        scf.for %scan3A_266 = %scan3A_261 to %scan3A_263 step %scan3A_264  : i32 {
          %mul3A_267 = arith.constant 16 : i32
          %mul3A_268 = arith.muli %scan3A_266, %mul3A_267 : i32
          %get3A = arith.index_cast %scan3A_259 : i32 to index
          %get3A_269 = arith.index_cast %mul3A_268 : i32 to index
          %get3A_270 = tpu.vector_load %arg11[%get3A, %get3A_269] {strides = array<i32>} : memref<16x512xi32, #tpu.memory_space<vmem>>, vector<1x16xi32>,
          %get3A_271 = vector.shape_cast %get3A_270 : vector<1x16xi32> to vector<16xi32>
          %shift_left3A = arith.constant 16 : i32
          %shift_left3A_272 = vector.broadcast %shift_left3A : i32 to vector<16xi32>
          %shift_left3A_273 = arith.shli %get3A_271, %shift_left3A_272 : vector<16xi32>
          %bitcast_convert_type3A = tpu.bitcast %shift_left3A_273 : vector<16xi32> -> vector<16xf32>
          %and3A_274 = arith.constant -65536 : i32
          %and3A_275 = vector.broadcast %and3A_274 : i32 to vector<16xi32>
          %and3A_276 = arith.andi %get3A_271, %and3A_275 : vector<16xi32>
          %bitcast_convert_type3A_277 = tpu.bitcast %and3A_276 : vector<16xi32> -> vector<16xf32>
          %mul3A_278 = arith.constant 2 : i32
          %mul3A_279 = arith.muli %scan3A_266, %mul3A_278 : i32
          %mul3A_280 = arith.constant 16 : i32
          %mul3A_281 = arith.muli %mul3A_279, %mul3A_280 : i32
          %swap3A = arith.index_cast %scan3A_259 : i32 to index
          %swap3A_282 = arith.index_cast %mul3A_281 : i32 to index
          %swap3A_283 = tpu.vector_load %arg7[%swap3A, %swap3A_282] {strides = array<i32>} : memref<16x1024xf32, #tpu.memory_space<vmem>>, vector<1x16xf32>,
          %swap3A_284 = vector.shape_cast %swap3A_283 : vector<1x16xf32> to vector<16xf32>
          %swap3A_285 = vector.shape_cast %bitcast_convert_type3A : vector<16xf32> to vector<1x16xf32>
          tpu.vector_store %arg7[%swap3A, %swap3A_282], %swap3A_285 {add = true, strides = array<i32>} : memref<16x1024xf32, #tpu.memory_space<vmem>>, vector<1x16xf32>,
          %mul3A_286 = arith.constant 2 : i32
          %mul3A_287 = arith.muli %scan3A_266, %mul3A_286 : i32
          %mul3A_288 = arith.constant 16 : i32
          %mul3A_289 = arith.muli %mul3A_287, %mul3A_288 : i32
          %add3A_290 = arith.constant 16 : i32
          %add3A_291 = arith.addi %mul3A_289, %add3A_290 : i32
          %swap3A_292 = arith.index_cast %scan3A_259 : i32 to index
          %swap3A_293 = arith.index_cast %add3A_291 : i32 to index
          %swap3A_294 = tpu.vector_load %arg7[%swap3A_292, %swap3A_293] {strides = array<i32>} : memref<16x1024xf32, #tpu.memory_space<vmem>>, vector<1x16xf32>,
          %swap3A_295 = vector.shape_cast %swap3A_294 : vector<1x16xf32> to vector<16xf32>
          %swap3A_296 = vector.shape_cast %bitcast_convert_type3A_277 : vector<16xf32> to vector<1x16xf32>
          tpu.vector_store %arg7[%swap3A_292, %swap3A_293], %swap3A_296 {add = true, strides = array<i32>} : memref<16x1024xf32, #tpu.memory_space<vmem>>, vector<1x16xf32>,
          %scan3A_297 = arith.constant 1 : i32
          %scan3A_298 = arith.addi %scan3A_266, %scan3A_297 : i32
          %mul3A_299 = arith.constant 16 : i32
          %mul3A_300 = arith.muli %scan3A_298, %mul3A_299 : i32
          %get3A_301 = arith.index_cast %scan3A_259 : i32 to index
          %get3A_302 = arith.index_cast %mul3A_300 : i32 to index
          %get3A_303 = tpu.vector_load %arg11[%get3A_301, %get3A_302] {strides = array<i32>} : memref<16x512xi32, #tpu.memory_space<vmem>>, vector<1x16xi32>,
          %get3A_304 = vector.shape_cast %get3A_303 : vector<1x16xi32> to vector<16xi32>
          %shift_left3A_305 = arith.constant 16 : i32
          %shift_left3A_306 = vector.broadcast %shift_left3A_305 : i32 to vector<16xi32>
          %shift_left3A_307 = arith.shli %get3A_304, %shift_left3A_306 : vector<16xi32>
          %bitcast_convert_type3A_308 = tpu.bitcast %shift_left3A_307 : vector<16xi32> -> vector<16xf32>
          %and3A_309 = arith.constant -65536 : i32
          %and3A_310 = vector.broadcast %and3A_309 : i32 to vector<16xi32>
          %and3A_311 = arith.andi %get3A_304, %and3A_310 : vector<16xi32>
          %bitcast_convert_type3A_312 = tpu.bitcast %and3A_311 : vector<16xi32> -> vector<16xf32>
          %mul3A_313 = arith.constant 2 : i32
          %mul3A_314 = arith.muli %scan3A_298, %mul3A_313 : i32
          %mul3A_315 = arith.constant 16 : i32
          %mul3A_316 = arith.muli %mul3A_314, %mul3A_315 : i32
          %swap3A_317 = arith.index_cast %scan3A_259 : i32 to index
          %swap3A_318 = arith.index_cast %mul3A_316 : i32 to index
          %swap3A_319 = tpu.vector_load %arg7[%swap3A_317, %swap3A_318] {strides = array<i32>} : memref<16x1024xf32, #tpu.memory_space<vmem>>, vector<1x16xf32>,
          %swap3A_320 = vector.shape_cast %swap3A_319 : vector<1x16xf32> to vector<16xf32>
          %swap3A_321 = vector.shape_cast %bitcast_convert_type3A_308 : vector<16xf32> to vector<1x16xf32>
          tpu.vector_store %arg7[%swap3A_317, %swap3A_318], %swap3A_321 {add = true, strides = array<i32>} : memref<16x1024xf32, #tpu.memory_space<vmem>>, vector<1x16xf32>,
          %mul3A_322 = arith.constant 2 : i32
          %mul3A_323 = arith.muli %scan3A_298, %mul3A_322 : i32
          %mul3A_324 = arith.constant 16 : i32
          %mul3A_325 = arith.muli %mul3A_323, %mul3A_324 : i32
          %add3A_326 = arith.constant 16 : i32
          %add3A_327 = arith.addi %mul3A_325, %add3A_326 : i32
          %swap3A_328 = arith.index_cast %scan3A_259 : i32 to index
          %swap3A_329 = arith.index_cast %add3A_327 : i32 to index
          %swap3A_330 = tpu.vector_load %arg7[%swap3A_328, %swap3A_329] {strides = array<i32>} : memref<16x1024xf32, #tpu.memory_space<vmem>>, vector<1x16xf32>,
          %swap3A_331 = vector.shape_cast %swap3A_330 : vector<1x16xf32> to vector<16xf32>
          %swap3A_332 = vector.shape_cast %bitcast_convert_type3A_312 : vector<16xf32> to vector<1x16xf32>
          tpu.vector_store %arg7[%swap3A_328, %swap3A_329], %swap3A_332 {add = true, strides = array<i32>} : memref<16x1024xf32, #tpu.memory_space<vmem>>, vector<1x16xf32>,
          %scan3A_333 = arith.constant 2 : i32
          %scan3A_334 = arith.addi %scan3A_266, %scan3A_333 : i32
          %mul3A_335 = arith.constant 16 : i32
          %mul3A_336 = arith.muli %scan3A_334, %mul3A_335 : i32
          %get3A_337 = arith.index_cast %scan3A_259 : i32 to index
          %get3A_338 = arith.index_cast %mul3A_336 : i32 to index
          %get3A_339 = tpu.vector_load %arg11[%get3A_337, %get3A_338] {strides = array<i32>} : memref<16x512xi32, #tpu.memory_space<vmem>>, vector<1x16xi32>,
          %get3A_340 = vector.shape_cast %get3A_339 : vector<1x16xi32> to vector<16xi32>
          %shift_left3A_341 = arith.constant 16 : i32
          %shift_left3A_342 = vector.broadcast %shift_left3A_341 : i32 to vector<16xi32>
          %shift_left3A_343 = arith.shli %get3A_340, %shift_left3A_342 : vector<16xi32>
          %bitcast_convert_type3A_344 = tpu.bitcast %shift_left3A_343 : vector<16xi32> -> vector<16xf32>
          %and3A_345 = arith.constant -65536 : i32
          %and3A_346 = vector.broadcast %and3A_345 : i32 to vector<16xi32>
          %and3A_347 = arith.andi %get3A_340, %and3A_346 : vector<16xi32>
          %bitcast_convert_type3A_348 = tpu.bitcast %and3A_347 : vector<16xi32> -> vector<16xf32>
          %mul3A_349 = arith.constant 2 : i32
          %mul3A_350 = arith.muli %scan3A_334, %mul3A_349 : i32
          %mul3A_351 = arith.constant 16 : i32
          %mul3A_352 = arith.muli %mul3A_350, %mul3A_351 : i32
          %swap3A_353 = arith.index_cast %scan3A_259 : i32 to index
          %swap3A_354 = arith.index_cast %mul3A_352 : i32 to index
          %swap3A_355 = tpu.vector_load %arg7[%swap3A_353, %swap3A_354] {strides = array<i32>} : memref<16x1024xf32, #tpu.memory_space<vmem>>, vector<1x16xf32>,
          %swap3A_356 = vector.shape_cast %swap3A_355 : vector<1x16xf32> to vector<16xf32>
          %swap3A_357 = vector.shape_cast %bitcast_convert_type3A_344 : vector<16xf32> to vector<1x16xf32>
          tpu.vector_store %arg7[%swap3A_353, %swap3A_354], %swap3A_357 {add = true, strides = array<i32>} : memref<16x1024xf32, #tpu.memory_space<vmem>>, vector<1x16xf32>,
          %mul3A_358 = arith.constant 2 : i32
          %mul3A_359 = arith.muli %scan3A_334, %mul3A_358 : i32
          %mul3A_360 = arith.constant 16 : i32
          %mul3A_361 = arith.muli %mul3A_359, %mul3A_360 : i32
          %add3A_362 = arith.constant 16 : i32
          %add3A_363 = arith.addi %mul3A_361, %add3A_362 : i32
          %swap3A_364 = arith.index_cast %scan3A_259 : i32 to index
          %swap3A_365 = arith.index_cast %add3A_363 : i32 to index
          %swap3A_366 = tpu.vector_load %arg7[%swap3A_364, %swap3A_365] {strides = array<i32>} : memref<16x1024xf32, #tpu.memory_space<vmem>>, vector<1x16xf32>,
          %swap3A_367 = vector.shape_cast %swap3A_366 : vector<1x16xf32> to vector<16xf32>
          %swap3A_368 = vector.shape_cast %bitcast_convert_type3A_348 : vector<16xf32> to vector<1x16xf32>
          tpu.vector_store %arg7[%swap3A_364, %swap3A_365], %swap3A_368 {add = true, strides = array<i32>} : memref<16x1024xf32, #tpu.memory_space<vmem>>, vector<1x16xf32>,
          %scan3A_369 = arith.constant 3 : i32
          %scan3A_370 = arith.addi %scan3A_266, %scan3A_369 : i32
          %mul3A_371 = arith.constant 16 : i32
          %mul3A_372 = arith.muli %scan3A_370, %mul3A_371 : i32
          %get3A_373 = arith.index_cast %scan3A_259 : i32 to index
          %get3A_374 = arith.index_cast %mul3A_372 : i32 to index
          %get3A_375 = tpu.vector_load %arg11[%get3A_373, %get3A_374] {strides = array<i32>} : memref<16x512xi32, #tpu.memory_space<vmem>>, vector<1x16xi32>,
          %get3A_376 = vector.shape_cast %get3A_375 : vector<1x16xi32> to vector<16xi32>
          %shift_left3A_377 = arith.constant 16 : i32
          %shift_left3A_378 = vector.broadcast %shift_left3A_377 : i32 to vector<16xi32>
          %shift_left3A_379 = arith.shli %get3A_376, %shift_left3A_378 : vector<16xi32>
          %bitcast_convert_type3A_380 = tpu.bitcast %shift_left3A_379 : vector<16xi32> -> vector<16xf32>
          %and3A_381 = arith.constant -65536 : i32
          %and3A_382 = vector.broadcast %and3A_381 : i32 to vector<16xi32>
          %and3A_383 = arith.andi %get3A_376, %and3A_382 : vector<16xi32>
          %bitcast_convert_type3A_384 = tpu.bitcast %and3A_383 : vector<16xi32> -> vector<16xf32>
          %mul3A_385 = arith.constant 2 : i32
          %mul3A_386 = arith.muli %scan3A_370, %mul3A_385 : i32
          %mul3A_387 = arith.constant 16 : i32
          %mul3A_388 = arith.muli %mul3A_386, %mul3A_387 : i32
          %swap3A_389 = arith.index_cast %scan3A_259 : i32 to index
          %swap3A_390 = arith.index_cast %mul3A_388 : i32 to index
          %swap3A_391 = tpu.vector_load %arg7[%swap3A_389, %swap3A_390] {strides = array<i32>} : memref<16x1024xf32, #tpu.memory_space<vmem>>, vector<1x16xf32>,
          %swap3A_392 = vector.shape_cast %swap3A_391 : vector<1x16xf32> to vector<16xf32>
          %swap3A_393 = vector.shape_cast %bitcast_convert_type3A_380 : vector<16xf32> to vector<1x16xf32>
          tpu.vector_store %arg7[%swap3A_389, %swap3A_390], %swap3A_393 {add = true, strides = array<i32>} : memref<16x1024xf32, #tpu.memory_space<vmem>>, vector<1x16xf32>,
          %mul3A_394 = arith.constant 2 : i32
          %mul3A_395 = arith.muli %scan3A_370, %mul3A_394 : i32
          %mul3A_396 = arith.constant 16 : i32
          %mul3A_397 = arith.muli %mul3A_395, %mul3A_396 : i32
          %add3A_398 = arith.constant 16 : i32
          %add3A_399 = arith.addi %mul3A_397, %add3A_398 : i32
          %swap3A_400 = arith.index_cast %scan3A_259 : i32 to index
          %swap3A_401 = arith.index_cast %add3A_399 : i32 to index
          %swap3A_402 = tpu.vector_load %arg7[%swap3A_400, %swap3A_401] {strides = array<i32>} : memref<16x1024xf32, #tpu.memory_space<vmem>>, vector<1x16xf32>,
          %swap3A_403 = vector.shape_cast %swap3A_402 : vector<1x16xf32> to vector<16xf32>
          %swap3A_404 = vector.shape_cast %bitcast_convert_type3A_384 : vector<16xf32> to vector<1x16xf32>
          tpu.vector_store %arg7[%swap3A_400, %swap3A_401], %swap3A_404 {add = true, strides = array<i32>} : memref<16x1024xf32, #tpu.memory_space<vmem>>, vector<1x16xf32>,
          %scan3A_405 = arith.constant 4 : i32
          %scan3A_406 = arith.addi %scan3A_266, %scan3A_405 : i32
          %mul3A_407 = arith.constant 16 : i32
          %mul3A_408 = arith.muli %scan3A_406, %mul3A_407 : i32
          %get3A_409 = arith.index_cast %scan3A_259 : i32 to index
          %get3A_410 = arith.index_cast %mul3A_408 : i32 to index
          %get3A_411 = tpu.vector_load %arg11[%get3A_409, %get3A_410] {strides = array<i32>} : memref<16x512xi32, #tpu.memory_space<vmem>>, vector<1x16xi32>,
          %get3A_412 = vector.shape_cast %get3A_411 : vector<1x16xi32> to vector<16xi32>
          %shift_left3A_413 = arith.constant 16 : i32
          %shift_left3A_414 = vector.broadcast %shift_left3A_413 : i32 to vector<16xi32>
          %shift_left3A_415 = arith.shli %get3A_412, %shift_left3A_414 : vector<16xi32>
          %bitcast_convert_type3A_416 = tpu.bitcast %shift_left3A_415 : vector<16xi32> -> vector<16xf32>
          %and3A_417 = arith.constant -65536 : i32
          %and3A_418 = vector.broadcast %and3A_417 : i32 to vector<16xi32>
          %and3A_419 = arith.andi %get3A_412, %and3A_418 : vector<16xi32>
          %bitcast_convert_type3A_420 = tpu.bitcast %and3A_419 : vector<16xi32> -> vector<16xf32>
          %mul3A_421 = arith.constant 2 : i32
          %mul3A_422 = arith.muli %scan3A_406, %mul3A_421 : i32
          %mul3A_423 = arith.constant 16 : i32
          %mul3A_424 = arith.muli %mul3A_422, %mul3A_423 : i32
          %swap3A_425 = arith.index_cast %scan3A_259 : i32 to index
          %swap3A_426 = arith.index_cast %mul3A_424 : i32 to index
          %swap3A_427 = tpu.vector_load %arg7[%swap3A_425, %swap3A_426] {strides = array<i32>} : memref<16x1024xf32, #tpu.memory_space<vmem>>, vector<1x16xf32>,
          %swap3A_428 = vector.shape_cast %swap3A_427 : vector<1x16xf32> to vector<16xf32>
          %swap3A_429 = vector.shape_cast %bitcast_convert_type3A_416 : vector<16xf32> to vector<1x16xf32>
          tpu.vector_store %arg7[%swap3A_425, %swap3A_426], %swap3A_429 {add = true, strides = array<i32>} : memref<16x1024xf32, #tpu.memory_space<vmem>>, vector<1x16xf32>,
          %mul3A_430 = arith.constant 2 : i32
          %mul3A_431 = arith.muli %scan3A_406, %mul3A_430 : i32
          %mul3A_432 = arith.constant 16 : i32
          %mul3A_433 = arith.muli %mul3A_431, %mul3A_432 : i32
          %add3A_434 = arith.constant 16 : i32
          %add3A_435 = arith.addi %mul3A_433, %add3A_434 : i32
          %swap3A_436 = arith.index_cast %scan3A_259 : i32 to index
          %swap3A_437 = arith.index_cast %add3A_435 : i32 to index
          %swap3A_438 = tpu.vector_load %arg7[%swap3A_436, %swap3A_437] {strides = array<i32>} : memref<16x1024xf32, #tpu.memory_space<vmem>>, vector<1x16xf32>,
          %swap3A_439 = vector.shape_cast %swap3A_438 : vector<1x16xf32> to vector<16xf32>
          %swap3A_440 = vector.shape_cast %bitcast_convert_type3A_420 : vector<16xf32> to vector<1x16xf32>
          tpu.vector_store %arg7[%swap3A_436, %swap3A_437], %swap3A_440 {add = true, strides = array<i32>} : memref<16x1024xf32, #tpu.memory_space<vmem>>, vector<1x16xf32>,
          %scan3A_441 = arith.constant 5 : i32
          %scan3A_442 = arith.addi %scan3A_266, %scan3A_441 : i32
          %mul3A_443 = arith.constant 16 : i32
          %mul3A_444 = arith.muli %scan3A_442, %mul3A_443 : i32
          %get3A_445 = arith.index_cast %scan3A_259 : i32 to index
          %get3A_446 = arith.index_cast %mul3A_444 : i32 to index
          %get3A_447 = tpu.vector_load %arg11[%get3A_445, %get3A_446] {strides = array<i32>} : memref<16x512xi32, #tpu.memory_space<vmem>>, vector<1x16xi32>,
          %get3A_448 = vector.shape_cast %get3A_447 : vector<1x16xi32> to vector<16xi32>
          %shift_left3A_449 = arith.constant 16 : i32
          %shift_left3A_450 = vector.broadcast %shift_left3A_449 : i32 to vector<16xi32>
          %shift_left3A_451 = arith.shli %get3A_448, %shift_left3A_450 : vector<16xi32>
          %bitcast_convert_type3A_452 = tpu.bitcast %shift_left3A_451 : vector<16xi32> -> vector<16xf32>
          %and3A_453 = arith.constant -65536 : i32
          %and3A_454 = vector.broadcast %and3A_453 : i32 to vector<16xi32>
          %and3A_455 = arith.andi %get3A_448, %and3A_454 : vector<16xi32>
          %bitcast_convert_type3A_456 = tpu.bitcast %and3A_455 : vector<16xi32> -> vector<16xf32>
          %mul3A_457 = arith.constant 2 : i32
          %mul3A_458 = arith.muli %scan3A_442, %mul3A_457 : i32
          %mul3A_459 = arith.constant 16 : i32
          %mul3A_460 = arith.muli %mul3A_458, %mul3A_459 : i32
          %swap3A_461 = arith.index_cast %scan3A_259 : i32 to index
          %swap3A_462 = arith.index_cast %mul3A_460 : i32 to index
          %swap3A_463 = tpu.vector_load %arg7[%swap3A_461, %swap3A_462] {strides = array<i32>} : memref<16x1024xf32, #tpu.memory_space<vmem>>, vector<1x16xf32>,
          %swap3A_464 = vector.shape_cast %swap3A_463 : vector<1x16xf32> to vector<16xf32>
          %swap3A_465 = vector.shape_cast %bitcast_convert_type3A_452 : vector<16xf32> to vector<1x16xf32>
          tpu.vector_store %arg7[%swap3A_461, %swap3A_462], %swap3A_465 {add = true, strides = array<i32>} : memref<16x1024xf32, #tpu.memory_space<vmem>>, vector<1x16xf32>,
          %mul3A_466 = arith.constant 2 : i32
          %mul3A_467 = arith.muli %scan3A_442, %mul3A_466 : i32
          %mul3A_468 = arith.constant 16 : i32
          %mul3A_469 = arith.muli %mul3A_467, %mul3A_468 : i32
          %add3A_470 = arith.constant 16 : i32
          %add3A_471 = arith.addi %mul3A_469, %add3A_470 : i32
          %swap3A_472 = arith.index_cast %scan3A_259 : i32 to index
          %swap3A_473 = arith.index_cast %add3A_471 : i32 to index
          %swap3A_474 = tpu.vector_load %arg7[%swap3A_472, %swap3A_473] {strides = array<i32>} : memref<16x1024xf32, #tpu.memory_space<vmem>>, vector<1x16xf32>,
          %swap3A_475 = vector.shape_cast %swap3A_474 : vector<1x16xf32> to vector<16xf32>
          %swap3A_476 = vector.shape_cast %bitcast_convert_type3A_456 : vector<16xf32> to vector<1x16xf32>
          tpu.vector_store %arg7[%swap3A_472, %swap3A_473], %swap3A_476 {add = true, strides = array<i32>} : memref<16x1024xf32, #tpu.memory_space<vmem>>, vector<1x16xf32>,
          %scan3A_477 = arith.constant 6 : i32
          %scan3A_478 = arith.addi %scan3A_266, %scan3A_477 : i32
          %mul3A_479 = arith.constant 16 : i32
          %mul3A_480 = arith.muli %scan3A_478, %mul3A_479 : i32
          %get3A_481 = arith.index_cast %scan3A_259 : i32 to index
          %get3A_482 = arith.index_cast %mul3A_480 : i32 to index
          %get3A_483 = tpu.vector_load %arg11[%get3A_481, %get3A_482] {strides = array<i32>} : memref<16x512xi32, #tpu.memory_space<vmem>>, vector<1x16xi32>,
          %get3A_484 = vector.shape_cast %get3A_483 : vector<1x16xi32> to vector<16xi32>
          %shift_left3A_485 = arith.constant 16 : i32
          %shift_left3A_486 = vector.broadcast %shift_left3A_485 : i32 to vector<16xi32>
          %shift_left3A_487 = arith.shli %get3A_484, %shift_left3A_486 : vector<16xi32>
          %bitcast_convert_type3A_488 = tpu.bitcast %shift_left3A_487 : vector<16xi32> -> vector<16xf32>
          %and3A_489 = arith.constant -65536 : i32
          %and3A_490 = vector.broadcast %and3A_489 : i32 to vector<16xi32>
          %and3A_491 = arith.andi %get3A_484, %and3A_490 : vector<16xi32>
          %bitcast_convert_type3A_492 = tpu.bitcast %and3A_491 : vector<16xi32> -> vector<16xf32>
          %mul3A_493 = arith.constant 2 : i32
          %mul3A_494 = arith.muli %scan3A_478, %mul3A_493 : i32
          %mul3A_495 = arith.constant 16 : i32
          %mul3A_496 = arith.muli %mul3A_494, %mul3A_495 : i32
          %swap3A_497 = arith.index_cast %scan3A_259 : i32 to index
          %swap3A_498 = arith.index_cast %mul3A_496 : i32 to index
          %swap3A_499 = tpu.vector_load %arg7[%swap3A_497, %swap3A_498] {strides = array<i32>} : memref<16x1024xf32, #tpu.memory_space<vmem>>, vector<1x16xf32>,
          %swap3A_500 = vector.shape_cast %swap3A_499 : vector<1x16xf32> to vector<16xf32>
          %swap3A_501 = vector.shape_cast %bitcast_convert_type3A_488 : vector<16xf32> to vector<1x16xf32>
          tpu.vector_store %arg7[%swap3A_497, %swap3A_498], %swap3A_501 {add = true, strides = array<i32>} : memref<16x1024xf32, #tpu.memory_space<vmem>>, vector<1x16xf32>,
          %mul3A_502 = arith.constant 2 : i32
          %mul3A_503 = arith.muli %scan3A_478, %mul3A_502 : i32
          %mul3A_504 = arith.constant 16 : i32
          %mul3A_505 = arith.muli %mul3A_503, %mul3A_504 : i32
          %add3A_506 = arith.constant 16 : i32
          %add3A_507 = arith.addi %mul3A_505, %add3A_506 : i32
          %swap3A_508 = arith.index_cast %scan3A_259 : i32 to index
          %swap3A_509 = arith.index_cast %add3A_507 : i32 to index
          %swap3A_510 = tpu.vector_load %arg7[%swap3A_508, %swap3A_509] {strides = array<i32>} : memref<16x1024xf32, #tpu.memory_space<vmem>>, vector<1x16xf32>,
          %swap3A_511 = vector.shape_cast %swap3A_510 : vector<1x16xf32> to vector<16xf32>
          %swap3A_512 = vector.shape_cast %bitcast_convert_type3A_492 : vector<16xf32> to vector<1x16xf32>
          tpu.vector_store %arg7[%swap3A_508, %swap3A_509], %swap3A_512 {add = true, strides = array<i32>} : memref<16x1024xf32, #tpu.memory_space<vmem>>, vector<1x16xf32>,
          %scan3A_513 = arith.constant 7 : i32
          %scan3A_514 = arith.addi %scan3A_266, %scan3A_513 : i32
          %mul3A_515 = arith.constant 16 : i32
          %mul3A_516 = arith.muli %scan3A_514, %mul3A_515 : i32
          %get3A_517 = arith.index_cast %scan3A_259 : i32 to index
          %get3A_518 = arith.index_cast %mul3A_516 : i32 to index
          %get3A_519 = tpu.vector_load %arg11[%get3A_517, %get3A_518] {strides = array<i32>} : memref<16x512xi32, #tpu.memory_space<vmem>>, vector<1x16xi32>,
          %get3A_520 = vector.shape_cast %get3A_519 : vector<1x16xi32> to vector<16xi32>
          %shift_left3A_521 = arith.constant 16 : i32
          %shift_left3A_522 = vector.broadcast %shift_left3A_521 : i32 to vector<16xi32>
          %shift_left3A_523 = arith.shli %get3A_520, %shift_left3A_522 : vector<16xi32>
          %bitcast_convert_type3A_524 = tpu.bitcast %shift_left3A_523 : vector<16xi32> -> vector<16xf32>
          %and3A_525 = arith.constant -65536 : i32
          %and3A_526 = vector.broadcast %and3A_525 : i32 to vector<16xi32>
          %and3A_527 = arith.andi %get3A_520, %and3A_526 : vector<16xi32>
          %bitcast_convert_type3A_528 = tpu.bitcast %and3A_527 : vector<16xi32> -> vector<16xf32>
          %mul3A_529 = arith.constant 2 : i32
          %mul3A_530 = arith.muli %scan3A_514, %mul3A_529 : i32
          %mul3A_531 = arith.constant 16 : i32
          %mul3A_532 = arith.muli %mul3A_530, %mul3A_531 : i32
          %swap3A_533 = arith.index_cast %scan3A_259 : i32 to index
          %swap3A_534 = arith.index_cast %mul3A_532 : i32 to index
          %swap3A_535 = tpu.vector_load %arg7[%swap3A_533, %swap3A_534] {strides = array<i32>} : memref<16x1024xf32, #tpu.memory_space<vmem>>, vector<1x16xf32>,
          %swap3A_536 = vector.shape_cast %swap3A_535 : vector<1x16xf32> to vector<16xf32>
          %swap3A_537 = vector.shape_cast %bitcast_convert_type3A_524 : vector<16xf32> to vector<1x16xf32>
          tpu.vector_store %arg7[%swap3A_533, %swap3A_534], %swap3A_537 {add = true, strides = array<i32>} : memref<16x1024xf32, #tpu.memory_space<vmem>>, vector<1x16xf32>,
          %mul3A_538 = arith.constant 2 : i32
          %mul3A_539 = arith.muli %scan3A_514, %mul3A_538 : i32
          %mul3A_540 = arith.constant 16 : i32
          %mul3A_541 = arith.muli %mul3A_539, %mul3A_540 : i32
          %add3A_542 = arith.constant 16 : i32
          %add3A_543 = arith.addi %mul3A_541, %add3A_542 : i32
          %swap3A_544 = arith.index_cast %scan3A_259 : i32 to index
          %swap3A_545 = arith.index_cast %add3A_543 : i32 to index
          %swap3A_546 = tpu.vector_load %arg7[%swap3A_544, %swap3A_545] {strides = array<i32>} : memref<16x1024xf32, #tpu.memory_space<vmem>>, vector<1x16xf32>,
          %swap3A_547 = vector.shape_cast %swap3A_546 : vector<1x16xf32> to vector<16xf32>
          %swap3A_548 = vector.shape_cast %bitcast_convert_type3A_528 : vector<16xf32> to vector<1x16xf32>
          tpu.vector_store %arg7[%swap3A_544, %swap3A_545], %swap3A_548 {add = true, strides = array<i32>} : memref<16x1024xf32, #tpu.memory_space<vmem>>, vector<1x16xf32>,
        }
        %scan3A_265 = arith.constant 32 : i32
      }
      %scan3A_94 = arith.constant 16 : i32
      %add3A_95 = arith.constant 2 : i32
      %add3A_96 = arith.addi %add3A_76, %add3A_95 : i32
      %lt3A = arith.constant 64 : i32
      %lt3A_97 = arith.cmpi slt, %add3A_96, %lt3A : i32
      %convert_element_type3A = arith.extui %lt3A_97 : i1 to i32
      %cond3A = arith.constant 0 : i32
      %cond3A_98 = arith.cmpi ne, %convert_element_type3A, %cond3A : i32
      scf.if %cond3A_98 {
        %add3A_259 = arith.constant 2 : i32
        %add3A_260 = arith.addi %add3A_76, %add3A_259 : i32
        %mul3A_261 = arith.constant 16 : i32
        %mul3A_262 = arith.muli %add3A_260, %mul3A_261 : i32
        %dma_start3A_263 = tpu.memref_slice %arg6[%mul3A_262] : memref<1024xi32, #tpu.memory_space<vmem>> -> memref<16xi32, #tpu.memory_space<vmem>>
        %dma_start3A_264 = arith.constant 0 : i32
        %dma_start3A_265 = arith.constant 0 : i32
        %dma_start3A_266 = tpu.memref_slice %arg4[%dma_start3A_264, %dma_start3A_265] : memref<352x512xi32, #tpu.memory_space<hbm>> -> memref<352x512xi32, #tpu.memory_space<hbm>>
        tpu.enqueue_indirect_dma source(%dma_start3A_266 : memref<352x512xi32, #tpu.memory_space<hbm>>) target(%arg11 : memref<16x512xi32, #tpu.memory_space<vmem>>) offsets(%dma_start3A_263 : memref<16xi32, #tpu.memory_space<vmem>>) semaphore(%arg17 : memref<!tpu.dma_semaphore, #tpu.memory_space<semaphore_mem>>)
      } else {
      }
      %mul3A_99 = arith.constant 16 : i32
      %mul3A_100 = arith.muli %add3A_76, %mul3A_99 : i32
      %add3A_101 = arith.addi %mul3A_2, %mul3A_100 : i32
      %dma_start3A_102 = arith.constant 0 : i32
      %dma_start3A_103 = tpu.memref_slice %arg5[%add3A_101, %dma_start3A_102] : memref<32768x1024xf32, #tpu.memory_space<hbm>> -> memref<16x1024xf32, #tpu.memory_space<hbm>>
      %dma_start3A_104 = arith.constant 0 : i32
      %dma_start3A_105 = tpu.memref_slice %arg5[%add3A_101, %dma_start3A_104] : memref<32768x1024xf32, #tpu.memory_space<hbm>> -> memref<16x1024xf32, #tpu.memory_space<hbm>>
      tpu.enqueue_dma source(%arg7 : memref<16x1024xf32, #tpu.memory_space<vmem>>) target(%dma_start3A_105 : memref<16x1024xf32, #tpu.memory_space<hbm>>) target_semaphore(%arg19 : memref<!tpu.dma_semaphore, #tpu.memory_space<semaphore_mem>>)
      %ge3A = arith.constant 1 : i32
      %ge3A_106 = arith.cmpi sge, %add3A_76, %ge3A : i32
      %add3A_107 = arith.constant 4 : i32
      %add3A_108 = arith.addi %add3A_76, %add3A_107 : i32
      %sub3A = arith.constant 1 : i32
      %sub3A_109 = arith.subi %add3A_108, %sub3A : i32
      %lt3A_110 = arith.constant 64 : i32
      %lt3A_111 = arith.cmpi slt, %sub3A_109, %lt3A_110 : i32
      %and3A = arith.andi %ge3A_106, %lt3A_111 : i1
      %convert_element_type3A_112 = arith.extui %and3A : i1 to i32
      %cond3A_113 = arith.constant 0 : i32
      %cond3A_114 = arith.cmpi ne, %convert_element_type3A_112, %cond3A_113 : i32
      scf.if %cond3A_114 {
        %dma_wait3A_259 = arith.constant 0 : i32
        %dma_wait3A_260 = arith.constant 0 : i32
        %dma_wait3A_261 = tpu.memref_slice %arg5[%dma_wait3A_259, %dma_wait3A_260] : memref<32768x1024xf32, #tpu.memory_space<hbm>> -> memref<16x1024xf32, #tpu.memory_space<hbm>>
        %dma_wait3A_262 = arith.constant 0 : i32
        %dma_wait3A_263 = arith.constant 0 : i32
        %dma_wait3A_264 = tpu.memref_slice %arg5[%dma_wait3A_262, %dma_wait3A_263] : memref<32768x1024xf32, #tpu.memory_space<hbm>> -> memref<16x1024xf32, #tpu.memory_space<hbm>>
        tpu.wait_dma2 semaphore(%arg22 : memref<!tpu.dma_semaphore, #tpu.memory_space<semaphore_mem>>) src(%arg10 : memref<16x1024xf32, #tpu.memory_space<vmem>>) dst(%dma_wait3A_264 : memref<16x1024xf32, #tpu.memory_space<hbm>>)
        %add3A_265 = arith.constant 4 : i32
        %add3A_266 = arith.addi %add3A_76, %add3A_265 : i32
        %sub3A_267 = arith.constant 1 : i32
        %sub3A_268 = arith.subi %add3A_266, %sub3A_267 : i32
        %mul3A_269 = arith.constant 16 : i32
        %mul3A_270 = arith.muli %sub3A_268, %mul3A_269 : i32
        %add3A_271 = arith.addi %mul3A_2, %mul3A_270 : i32
        %dma_start3A_272 = arith.constant 0 : i32
        %dma_start3A_273 = tpu.memref_slice %arg2[%add3A_271, %dma_start3A_272] : memref<32768x1024xf32, #tpu.memory_space<hbm>> -> memref<16x1024xf32, #tpu.memory_space<hbm>>
        %dma_start3A_274 = arith.constant 0 : i32
        %dma_start3A_275 = tpu.memref_slice %arg2[%add3A_271, %dma_start3A_274] : memref<32768x1024xf32, #tpu.memory_space<hbm>> -> memref<16x1024xf32, #tpu.memory_space<hbm>>
        tpu.enqueue_dma source(%dma_start3A_275 : memref<16x1024xf32, #tpu.memory_space<hbm>>) target(%arg10 : memref<16x1024xf32, #tpu.memory_space<vmem>>) target_semaphore(%arg16 : memref<!tpu.dma_semaphore, #tpu.memory_space<semaphore_mem>>)
      } else {
      }
      %mul3A_115 = arith.constant 4 : i32
      %mul3A_116 = arith.muli %scan3A_72, %mul3A_115 : i32
      %add3A_117 = arith.constant 1 : i32
      %add3A_118 = arith.addi %mul3A_116, %add3A_117 : i32
      %dma_wait3A_119 = arith.constant 0 : i32
      %dma_wait3A_120 = arith.constant 0 : i32
      %dma_wait3A_121 = tpu.memref_slice %arg2[%dma_wait3A_119, %dma_wait3A_120] : memref<32768x1024xf32, #tpu.memory_space<hbm>> -> memref<16x1024xf32, #tpu.memory_space<hbm>>
      %dma_wait3A_122 = arith.constant 0 : i32
      %dma_wait3A_123 = arith.constant 0 : i32
      %dma_wait3A_124 = tpu.memref_slice %arg2[%dma_wait3A_122, %dma_wait3A_123] : memref<32768x1024xf32, #tpu.memory_space<hbm>> -> memref<16x1024xf32, #tpu.memory_space<hbm>>
      tpu.wait_dma2 semaphore(%arg14 : memref<!tpu.dma_semaphore, #tpu.memory_space<semaphore_mem>>) src(%dma_wait3A_124 : memref<16x1024xf32, #tpu.memory_space<hbm>>) dst(%arg8 : memref<16x1024xf32, #tpu.memory_space<vmem>>)
      %dma_wait3A_125 = arith.constant 0 : i32
      %dma_wait3A_126 = arith.constant 0 : i32
      %dma_wait3A_127 = tpu.memref_slice %arg2[%dma_wait3A_125, %dma_wait3A_126] : memref<32768x1024xf32, #tpu.memory_space<hbm>> -> memref<16x1024xf32, #tpu.memory_space<hbm>>
      %dma_wait3A_128 = arith.constant 0 : i32
      %dma_wait3A_129 = arith.constant 0 : i32
      %dma_wait3A_130 = tpu.memref_slice %arg2[%dma_wait3A_128, %dma_wait3A_129] : memref<32768x1024xf32, #tpu.memory_space<hbm>> -> memref<16x1024xf32, #tpu.memory_space<hbm>>
      tpu.wait_dma2 semaphore(%arg18 : memref<!tpu.dma_semaphore, #tpu.memory_space<semaphore_mem>>) src(%dma_wait3A_130 : memref<16x1024xf32, #tpu.memory_space<hbm>>) dst(%arg12 : memref<16x512xi32, #tpu.memory_space<vmem>>)
      %scan3A_131 = arith.constant 0 : i32
      %scan3A_132 = arith.constant 0 : i32
      %scan3A_133 = arith.constant 16 : i32
      %scan3A_134 = arith.addi %scan3A_132, %scan3A_133 : i32
      %scan3A_135 = arith.constant 1 : i32
      scf.for %scan3A_259 = %scan3A_132 to %scan3A_134 step %scan3A_135  : i32 {
        %scan3A_260 = arith.constant 0 : i32
        %scan3A_261 = arith.constant 0 : i32
        %scan3A_262 = arith.constant 32 : i32
        %scan3A_263 = arith.addi %scan3A_261, %scan3A_262 : i32
        %scan3A_264 = arith.constant 8 : i32
        scf.for %scan3A_266 = %scan3A_261 to %scan3A_263 step %scan3A_264  : i32 {
          %mul3A_267 = arith.constant 16 : i32
          %mul3A_268 = arith.muli %scan3A_266, %mul3A_267 : i32
          %get3A = arith.index_cast %scan3A_259 : i32 to index
          %get3A_269 = arith.index_cast %mul3A_268 : i32 to index
          %get3A_270 = tpu.vector_load %arg12[%get3A, %get3A_269] {strides = array<i32>} : memref<16x512xi32, #tpu.memory_space<vmem>>, vector<1x16xi32>,
          %get3A_271 = vector.shape_cast %get3A_270 : vector<1x16xi32> to vector<16xi32>
          %shift_left3A = arith.constant 16 : i32
          %shift_left3A_272 = vector.broadcast %shift_left3A : i32 to vector<16xi32>
          %shift_left3A_273 = arith.shli %get3A_271, %shift_left3A_272 : vector<16xi32>
          %bitcast_convert_type3A = tpu.bitcast %shift_left3A_273 : vector<16xi32> -> vector<16xf32>
          %and3A_274 = arith.constant -65536 : i32
          %and3A_275 = vector.broadcast %and3A_274 : i32 to vector<16xi32>
          %and3A_276 = arith.andi %get3A_271, %and3A_275 : vector<16xi32>
          %bitcast_convert_type3A_277 = tpu.bitcast %and3A_276 : vector<16xi32> -> vector<16xf32>
          %mul3A_278 = arith.constant 2 : i32
          %mul3A_279 = arith.muli %scan3A_266, %mul3A_278 : i32
          %mul3A_280 = arith.constant 16 : i32
          %mul3A_281 = arith.muli %mul3A_279, %mul3A_280 : i32
          %swap3A = arith.index_cast %scan3A_259 : i32 to index
          %swap3A_282 = arith.index_cast %mul3A_281 : i32 to index
          %swap3A_283 = tpu.vector_load %arg8[%swap3A, %swap3A_282] {strides = array<i32>} : memref<16x1024xf32, #tpu.memory_space<vmem>>, vector<1x16xf32>,
          %swap3A_284 = vector.shape_cast %swap3A_283 : vector<1x16xf32> to vector<16xf32>
          %swap3A_285 = vector.shape_cast %bitcast_convert_type3A : vector<16xf32> to vector<1x16xf32>
          tpu.vector_store %arg8[%swap3A, %swap3A_282], %swap3A_285 {add = true, strides = array<i32>} : memref<16x1024xf32, #tpu.memory_space<vmem>>, vector<1x16xf32>,
          %mul3A_286 = arith.constant 2 : i32
          %mul3A_287 = arith.muli %scan3A_266, %mul3A_286 : i32
          %mul3A_288 = arith.constant 16 : i32
          %mul3A_289 = arith.muli %mul3A_287, %mul3A_288 : i32
          %add3A_290 = arith.constant 16 : i32
          %add3A_291 = arith.addi %mul3A_289, %add3A_290 : i32
          %swap3A_292 = arith.index_cast %scan3A_259 : i32 to index
          %swap3A_293 = arith.index_cast %add3A_291 : i32 to index
          %swap3A_294 = tpu.vector_load %arg8[%swap3A_292, %swap3A_293] {strides = array<i32>} : memref<16x1024xf32, #tpu.memory_space<vmem>>, vector<1x16xf32>,
          %swap3A_295 = vector.shape_cast %swap3A_294 : vector<1x16xf32> to vector<16xf32>
          %swap3A_296 = vector.shape_cast %bitcast_convert_type3A_277 : vector<16xf32> to vector<1x16xf32>
          tpu.vector_store %arg8[%swap3A_292, %swap3A_293], %swap3A_296 {add = true, strides = array<i32>} : memref<16x1024xf32, #tpu.memory_space<vmem>>, vector<1x16xf32>,
          %scan3A_297 = arith.constant 1 : i32
          %scan3A_298 = arith.addi %scan3A_266, %scan3A_297 : i32
          %mul3A_299 = arith.constant 16 : i32
          %mul3A_300 = arith.muli %scan3A_298, %mul3A_299 : i32
          %get3A_301 = arith.index_cast %scan3A_259 : i32 to index
          %get3A_302 = arith.index_cast %mul3A_300 : i32 to index
          %get3A_303 = tpu.vector_load %arg12[%get3A_301, %get3A_302] {strides = array<i32>} : memref<16x512xi32, #tpu.memory_space<vmem>>, vector<1x16xi32>,
          %get3A_304 = vector.shape_cast %get3A_303 : vector<1x16xi32> to vector<16xi32>
          %shift_left3A_305 = arith.constant 16 : i32
          %shift_left3A_306 = vector.broadcast %shift_left3A_305 : i32 to vector<16xi32>
          %shift_left3A_307 = arith.shli %get3A_304, %shift_left3A_306 : vector<16xi32>
          %bitcast_convert_type3A_308 = tpu.bitcast %shift_left3A_307 : vector<16xi32> -> vector<16xf32>
          %and3A_309 = arith.constant -65536 : i32
          %and3A_310 = vector.broadcast %and3A_309 : i32 to vector<16xi32>
          %and3A_311 = arith.andi %get3A_304, %and3A_310 : vector<16xi32>
          %bitcast_convert_type3A_312 = tpu.bitcast %and3A_311 : vector<16xi32> -> vector<16xf32>
          %mul3A_313 = arith.constant 2 : i32
          %mul3A_314 = arith.muli %scan3A_298, %mul3A_313 : i32
          %mul3A_315 = arith.constant 16 : i32
          %mul3A_316 = arith.muli %mul3A_314, %mul3A_315 : i32
          %swap3A_317 = arith.index_cast %scan3A_259 : i32 to index
          %swap3A_318 = arith.index_cast %mul3A_316 : i32 to index
          %swap3A_319 = tpu.vector_load %arg8[%swap3A_317, %swap3A_318] {strides = array<i32>} : memref<16x1024xf32, #tpu.memory_space<vmem>>, vector<1x16xf32>,
          %swap3A_320 = vector.shape_cast %swap3A_319 : vector<1x16xf32> to vector<16xf32>
          %swap3A_321 = vector.shape_cast %bitcast_convert_type3A_308 : vector<16xf32> to vector<1x16xf32>
          tpu.vector_store %arg8[%swap3A_317, %swap3A_318], %swap3A_321 {add = true, strides = array<i32>} : memref<16x1024xf32, #tpu.memory_space<vmem>>, vector<1x16xf32>,
          %mul3A_322 = arith.constant 2 : i32
          %mul3A_323 = arith.muli %scan3A_298, %mul3A_322 : i32
          %mul3A_324 = arith.constant 16 : i32
          %mul3A_325 = arith.muli %mul3A_323, %mul3A_324 : i32
          %add3A_326 = arith.constant 16 : i32
          %add3A_327 = arith.addi %mul3A_325, %add3A_326 : i32
          %swap3A_328 = arith.index_cast %scan3A_259 : i32 to index
          %swap3A_329 = arith.index_cast %add3A_327 : i32 to index
          %swap3A_330 = tpu.vector_load %arg8[%swap3A_328, %swap3A_329] {strides = array<i32>} : memref<16x1024xf32, #tpu.memory_space<vmem>>, vector<1x16xf32>,
          %swap3A_331 = vector.shape_cast %swap3A_330 : vector<1x16xf32> to vector<16xf32>
          %swap3A_332 = vector.shape_cast %bitcast_convert_type3A_312 : vector<16xf32> to vector<1x16xf32>
          tpu.vector_store %arg8[%swap3A_328, %swap3A_329], %swap3A_332 {add = true, strides = array<i32>} : memref<16x1024xf32, #tpu.memory_space<vmem>>, vector<1x16xf32>,
          %scan3A_333 = arith.constant 2 : i32
          %scan3A_334 = arith.addi %scan3A_266, %scan3A_333 : i32
          %mul3A_335 = arith.constant 16 : i32
          %mul3A_336 = arith.muli %scan3A_334, %mul3A_335 : i32
          %get3A_337 = arith.index_cast %scan3A_259 : i32 to index
          %get3A_338 = arith.index_cast %mul3A_336 : i32 to index
          %get3A_339 = tpu.vector_load %arg12[%get3A_337, %get3A_338] {strides = array<i32>} : memref<16x512xi32, #tpu.memory_space<vmem>>, vector<1x16xi32>,
          %get3A_340 = vector.shape_cast %get3A_339 : vector<1x16xi32> to vector<16xi32>
          %shift_left3A_341 = arith.constant 16 : i32
          %shift_left3A_342 = vector.broadcast %shift_left3A_341 : i32 to vector<16xi32>
          %shift_left3A_343 = arith.shli %get3A_340, %shift_left3A_342 : vector<16xi32>
          %bitcast_convert_type3A_344 = tpu.bitcast %shift_left3A_343 : vector<16xi32> -> vector<16xf32>
          %and3A_345 = arith.constant -65536 : i32
          %and3A_346 = vector.broadcast %and3A_345 : i32 to vector<16xi32>
          %and3A_347 = arith.andi %get3A_340, %and3A_346 : vector<16xi32>
          %bitcast_convert_type3A_348 = tpu.bitcast %and3A_347 : vector<16xi32> -> vector<16xf32>
          %mul3A_349 = arith.constant 2 : i32
          %mul3A_350 = arith.muli %scan3A_334, %mul3A_349 : i32
          %mul3A_351 = arith.constant 16 : i32
          %mul3A_352 = arith.muli %mul3A_350, %mul3A_351 : i32
          %swap3A_353 = arith.index_cast %scan3A_259 : i32 to index
          %swap3A_354 = arith.index_cast %mul3A_352 : i32 to index
          %swap3A_355 = tpu.vector_load %arg8[%swap3A_353, %swap3A_354] {strides = array<i32>} : memref<16x1024xf32, #tpu.memory_space<vmem>>, vector<1x16xf32>,
          %swap3A_356 = vector.shape_cast %swap3A_355 : vector<1x16xf32> to vector<16xf32>
          %swap3A_357 = vector.shape_cast %bitcast_convert_type3A_344 : vector<16xf32> to vector<1x16xf32>
          tpu.vector_store %arg8[%swap3A_353, %swap3A_354], %swap3A_357 {add = true, strides = array<i32>} : memref<16x1024xf32, #tpu.memory_space<vmem>>, vector<1x16xf32>,
          %mul3A_358 = arith.constant 2 : i32
          %mul3A_359 = arith.muli %scan3A_334, %mul3A_358 : i32
          %mul3A_360 = arith.constant 16 : i32
          %mul3A_361 = arith.muli %mul3A_359, %mul3A_360 : i32
          %add3A_362 = arith.constant 16 : i32
          %add3A_363 = arith.addi %mul3A_361, %add3A_362 : i32
          %swap3A_364 = arith.index_cast %scan3A_259 : i32 to index
          %swap3A_365 = arith.index_cast %add3A_363 : i32 to index
          %swap3A_366 = tpu.vector_load %arg8[%swap3A_364, %swap3A_365] {strides = array<i32>} : memref<16x1024xf32, #tpu.memory_space<vmem>>, vector<1x16xf32>,
          %swap3A_367 = vector.shape_cast %swap3A_366 : vector<1x16xf32> to vector<16xf32>
          %swap3A_368 = vector.shape_cast %bitcast_convert_type3A_348 : vector<16xf32> to vector<1x16xf32>
          tpu.vector_store %arg8[%swap3A_364, %swap3A_365], %swap3A_368 {add = true, strides = array<i32>} : memref<16x1024xf32, #tpu.memory_space<vmem>>, vector<1x16xf32>,
          %scan3A_369 = arith.constant 3 : i32
          %scan3A_370 = arith.addi %scan3A_266, %scan3A_369 : i32
          %mul3A_371 = arith.constant 16 : i32
          %mul3A_372 = arith.muli %scan3A_370, %mul3A_371 : i32
          %get3A_373 = arith.index_cast %scan3A_259 : i32 to index
          %get3A_374 = arith.index_cast %mul3A_372 : i32 to index
          %get3A_375 = tpu.vector_load %arg12[%get3A_373, %get3A_374] {strides = array<i32>} : memref<16x512xi32, #tpu.memory_space<vmem>>, vector<1x16xi32>,
          %get3A_376 = vector.shape_cast %get3A_375 : vector<1x16xi32> to vector<16xi32>
          %shift_left3A_377 = arith.constant 16 : i32
          %shift_left3A_378 = vector.broadcast %shift_left3A_377 : i32 to vector<16xi32>
          %shift_left3A_379 = arith.shli %get3A_376, %shift_left3A_378 : vector<16xi32>
          %bitcast_convert_type3A_380 = tpu.bitcast %shift_left3A_379 : vector<16xi32> -> vector<16xf32>
          %and3A_381 = arith.constant -65536 : i32
          %and3A_382 = vector.broadcast %and3A_381 : i32 to vector<16xi32>
          %and3A_383 = arith.andi %get3A_376, %and3A_382 : vector<16xi32>
          %bitcast_convert_type3A_384 = tpu.bitcast %and3A_383 : vector<16xi32> -> vector<16xf32>
          %mul3A_385 = arith.constant 2 : i32
          %mul3A_386 = arith.muli %scan3A_370, %mul3A_385 : i32
          %mul3A_387 = arith.constant 16 : i32
          %mul3A_388 = arith.muli %mul3A_386, %mul3A_387 : i32
          %swap3A_389 = arith.index_cast %scan3A_259 : i32 to index
          %swap3A_390 = arith.index_cast %mul3A_388 : i32 to index
          %swap3A_391 = tpu.vector_load %arg8[%swap3A_389, %swap3A_390] {strides = array<i32>} : memref<16x1024xf32, #tpu.memory_space<vmem>>, vector<1x16xf32>,
          %swap3A_392 = vector.shape_cast %swap3A_391 : vector<1x16xf32> to vector<16xf32>
          %swap3A_393 = vector.shape_cast %bitcast_convert_type3A_380 : vector<16xf32> to vector<1x16xf32>
          tpu.vector_store %arg8[%swap3A_389, %swap3A_390], %swap3A_393 {add = true, strides = array<i32>} : memref<16x1024xf32, #tpu.memory_space<vmem>>, vector<1x16xf32>,
          %mul3A_394 = arith.constant 2 : i32
          %mul3A_395 = arith.muli %scan3A_370, %mul3A_394 : i32
          %mul3A_396 = arith.constant 16 : i32
          %mul3A_397 = arith.muli %mul3A_395, %mul3A_396 : i32
          %add3A_398 = arith.constant 16 : i32
          %add3A_399 = arith.addi %mul3A_397, %add3A_398 : i32
          %swap3A_400 = arith.index_cast %scan3A_259 : i32 to index
          %swap3A_401 = arith.index_cast %add3A_399 : i32 to index
          %swap3A_402 = tpu.vector_load %arg8[%swap3A_400, %swap3A_401] {strides = array<i32>} : memref<16x1024xf32, #tpu.memory_space<vmem>>, vector<1x16xf32>,
          %swap3A_403 = vector.shape_cast %swap3A_402 : vector<1x16xf32> to vector<16xf32>
          %swap3A_404 = vector.shape_cast %bitcast_convert_type3A_384 : vector<16xf32> to vector<1x16xf32>
          tpu.vector_store %arg8[%swap3A_400, %swap3A_401], %swap3A_404 {add = true, strides = array<i32>} : memref<16x1024xf32, #tpu.memory_space<vmem>>, vector<1x16xf32>,
          %scan3A_405 = arith.constant 4 : i32
          %scan3A_406 = arith.addi %scan3A_266, %scan3A_405 : i32
          %mul3A_407 = arith.constant 16 : i32
          %mul3A_408 = arith.muli %scan3A_406, %mul3A_407 : i32
          %get3A_409 = arith.index_cast %scan3A_259 : i32 to index
          %get3A_410 = arith.index_cast %mul3A_408 : i32 to index
          %get3A_411 = tpu.vector_load %arg12[%get3A_409, %get3A_410] {strides = array<i32>} : memref<16x512xi32, #tpu.memory_space<vmem>>, vector<1x16xi32>,
          %get3A_412 = vector.shape_cast %get3A_411 : vector<1x16xi32> to vector<16xi32>
          %shift_left3A_413 = arith.constant 16 : i32
          %shift_left3A_414 = vector.broadcast %shift_left3A_413 : i32 to vector<16xi32>
          %shift_left3A_415 = arith.shli %get3A_412, %shift_left3A_414 : vector<16xi32>
          %bitcast_convert_type3A_416 = tpu.bitcast %shift_left3A_415 : vector<16xi32> -> vector<16xf32>
          %and3A_417 = arith.constant -65536 : i32
          %and3A_418 = vector.broadcast %and3A_417 : i32 to vector<16xi32>
          %and3A_419 = arith.andi %get3A_412, %and3A_418 : vector<16xi32>
          %bitcast_convert_type3A_420 = tpu.bitcast %and3A_419 : vector<16xi32> -> vector<16xf32>
          %mul3A_421 = arith.constant 2 : i32
          %mul3A_422 = arith.muli %scan3A_406, %mul3A_421 : i32
          %mul3A_423 = arith.constant 16 : i32
          %mul3A_424 = arith.muli %mul3A_422, %mul3A_423 : i32
          %swap3A_425 = arith.index_cast %scan3A_259 : i32 to index
          %swap3A_426 = arith.index_cast %mul3A_424 : i32 to index
          %swap3A_427 = tpu.vector_load %arg8[%swap3A_425, %swap3A_426] {strides = array<i32>} : memref<16x1024xf32, #tpu.memory_space<vmem>>, vector<1x16xf32>,
          %swap3A_428 = vector.shape_cast %swap3A_427 : vector<1x16xf32> to vector<16xf32>
          %swap3A_429 = vector.shape_cast %bitcast_convert_type3A_416 : vector<16xf32> to vector<1x16xf32>
          tpu.vector_store %arg8[%swap3A_425, %swap3A_426], %swap3A_429 {add = true, strides = array<i32>} : memref<16x1024xf32, #tpu.memory_space<vmem>>, vector<1x16xf32>,
          %mul3A_430 = arith.constant 2 : i32
          %mul3A_431 = arith.muli %scan3A_406, %mul3A_430 : i32
          %mul3A_432 = arith.constant 16 : i32
          %mul3A_433 = arith.muli %mul3A_431, %mul3A_432 : i32
          %add3A_434 = arith.constant 16 : i32
          %add3A_435 = arith.addi %mul3A_433, %add3A_434 : i32
          %swap3A_436 = arith.index_cast %scan3A_259 : i32 to index
          %swap3A_437 = arith.index_cast %add3A_435 : i32 to index
          %swap3A_438 = tpu.vector_load %arg8[%swap3A_436, %swap3A_437] {strides = array<i32>} : memref<16x1024xf32, #tpu.memory_space<vmem>>, vector<1x16xf32>,
          %swap3A_439 = vector.shape_cast %swap3A_438 : vector<1x16xf32> to vector<16xf32>
          %swap3A_440 = vector.shape_cast %bitcast_convert_type3A_420 : vector<16xf32> to vector<1x16xf32>
          tpu.vector_store %arg8[%swap3A_436, %swap3A_437], %swap3A_440 {add = true, strides = array<i32>} : memref<16x1024xf32, #tpu.memory_space<vmem>>, vector<1x16xf32>,
          %scan3A_441 = arith.constant 5 : i32
          %scan3A_442 = arith.addi %scan3A_266, %scan3A_441 : i32
          %mul3A_443 = arith.constant 16 : i32
          %mul3A_444 = arith.muli %scan3A_442, %mul3A_443 : i32
          %get3A_445 = arith.index_cast %scan3A_259 : i32 to index
          %get3A_446 = arith.index_cast %mul3A_444 : i32 to index
          %get3A_447 = tpu.vector_load %arg12[%get3A_445, %get3A_446] {strides = array<i32>} : memref<16x512xi32, #tpu.memory_space<vmem>>, vector<1x16xi32>,
          %get3A_448 = vector.shape_cast %get3A_447 : vector<1x16xi32> to vector<16xi32>
          %shift_left3A_449 = arith.constant 16 : i32
          %shift_left3A_450 = vector.broadcast %shift_left3A_449 : i32 to vector<16xi32>
          %shift_left3A_451 = arith.shli %get3A_448, %shift_left3A_450 : vector<16xi32>
          %bitcast_convert_type3A_452 = tpu.bitcast %shift_left3A_451 : vector<16xi32> -> vector<16xf32>
          %and3A_453 = arith.constant -65536 : i32
          %and3A_454 = vector.broadcast %and3A_453 : i32 to vector<16xi32>
          %and3A_455 = arith.andi %get3A_448, %and3A_454 : vector<16xi32>
          %bitcast_convert_type3A_456 = tpu.bitcast %and3A_455 : vector<16xi32> -> vector<16xf32>
          %mul3A_457 = arith.constant 2 : i32
          %mul3A_458 = arith.muli %scan3A_442, %mul3A_457 : i32
          %mul3A_459 = arith.constant 16 : i32
          %mul3A_460 = arith.muli %mul3A_458, %mul3A_459 : i32
          %swap3A_461 = arith.index_cast %scan3A_259 : i32 to index
          %swap3A_462 = arith.index_cast %mul3A_460 : i32 to index
          %swap3A_463 = tpu.vector_load %arg8[%swap3A_461, %swap3A_462] {strides = array<i32>} : memref<16x1024xf32, #tpu.memory_space<vmem>>, vector<1x16xf32>,
          %swap3A_464 = vector.shape_cast %swap3A_463 : vector<1x16xf32> to vector<16xf32>
          %swap3A_465 = vector.shape_cast %bitcast_convert_type3A_452 : vector<16xf32> to vector<1x16xf32>
          tpu.vector_store %arg8[%swap3A_461, %swap3A_462], %swap3A_465 {add = true, strides = array<i32>} : memref<16x1024xf32, #tpu.memory_space<vmem>>, vector<1x16xf32>,
          %mul3A_466 = arith.constant 2 : i32
          %mul3A_467 = arith.muli %scan3A_442, %mul3A_466 : i32
          %mul3A_468 = arith.constant 16 : i32
          %mul3A_469 = arith.muli %mul3A_467, %mul3A_468 : i32
          %add3A_470 = arith.constant 16 : i32
          %add3A_471 = arith.addi %mul3A_469, %add3A_470 : i32
          %swap3A_472 = arith.index_cast %scan3A_259 : i32 to index
          %swap3A_473 = arith.index_cast %add3A_471 : i32 to index
          %swap3A_474 = tpu.vector_load %arg8[%swap3A_472, %swap3A_473] {strides = array<i32>} : memref<16x1024xf32, #tpu.memory_space<vmem>>, vector<1x16xf32>,
          %swap3A_475 = vector.shape_cast %swap3A_474 : vector<1x16xf32> to vector<16xf32>
          %swap3A_476 = vector.shape_cast %bitcast_convert_type3A_456 : vector<16xf32> to vector<1x16xf32>
          tpu.vector_store %arg8[%swap3A_472, %swap3A_473], %swap3A_476 {add = true, strides = array<i32>} : memref<16x1024xf32, #tpu.memory_space<vmem>>, vector<1x16xf32>,
          %scan3A_477 = arith.constant 6 : i32
          %scan3A_478 = arith.addi %scan3A_266, %scan3A_477 : i32
          %mul3A_479 = arith.constant 16 : i32
          %mul3A_480 = arith.muli %scan3A_478, %mul3A_479 : i32
          %get3A_481 = arith.index_cast %scan3A_259 : i32 to index
          %get3A_482 = arith.index_cast %mul3A_480 : i32 to index
          %get3A_483 = tpu.vector_load %arg12[%get3A_481, %get3A_482] {strides = array<i32>} : memref<16x512xi32, #tpu.memory_space<vmem>>, vector<1x16xi32>,
          %get3A_484 = vector.shape_cast %get3A_483 : vector<1x16xi32> to vector<16xi32>
          %shift_left3A_485 = arith.constant 16 : i32
          %shift_left3A_486 = vector.broadcast %shift_left3A_485 : i32 to vector<16xi32>
          %shift_left3A_487 = arith.shli %get3A_484, %shift_left3A_486 : vector<16xi32>
          %bitcast_convert_type3A_488 = tpu.bitcast %shift_left3A_487 : vector<16xi32> -> vector<16xf32>
          %and3A_489 = arith.constant -65536 : i32
          %and3A_490 = vector.broadcast %and3A_489 : i32 to vector<16xi32>
          %and3A_491 = arith.andi %get3A_484, %and3A_490 : vector<16xi32>
          %bitcast_convert_type3A_492 = tpu.bitcast %and3A_491 : vector<16xi32> -> vector<16xf32>
          %mul3A_493 = arith.constant 2 : i32
          %mul3A_494 = arith.muli %scan3A_478, %mul3A_493 : i32
          %mul3A_495 = arith.constant 16 : i32
          %mul3A_496 = arith.muli %mul3A_494, %mul3A_495 : i32
          %swap3A_497 = arith.index_cast %scan3A_259 : i32 to index
          %swap3A_498 = arith.index_cast %mul3A_496 : i32 to index
          %swap3A_499 = tpu.vector_load %arg8[%swap3A_497, %swap3A_498] {strides = array<i32>} : memref<16x1024xf32, #tpu.memory_space<vmem>>, vector<1x16xf32>,
          %swap3A_500 = vector.shape_cast %swap3A_499 : vector<1x16xf32> to vector<16xf32>
          %swap3A_501 = vector.shape_cast %bitcast_convert_type3A_488 : vector<16xf32> to vector<1x16xf32>
          tpu.vector_store %arg8[%swap3A_497, %swap3A_498], %swap3A_501 {add = true, strides = array<i32>} : memref<16x1024xf32, #tpu.memory_space<vmem>>, vector<1x16xf32>,
          %mul3A_502 = arith.constant 2 : i32
          %mul3A_503 = arith.muli %scan3A_478, %mul3A_502 : i32
          %mul3A_504 = arith.constant 16 : i32
          %mul3A_505 = arith.muli %mul3A_503, %mul3A_504 : i32
          %add3A_506 = arith.constant 16 : i32
          %add3A_507 = arith.addi %mul3A_505, %add3A_506 : i32
          %swap3A_508 = arith.index_cast %scan3A_259 : i32 to index
          %swap3A_509 = arith.index_cast %add3A_507 : i32 to index
          %swap3A_510 = tpu.vector_load %arg8[%swap3A_508, %swap3A_509] {strides = array<i32>} : memref<16x1024xf32, #tpu.memory_space<vmem>>, vector<1x16xf32>,
          %swap3A_511 = vector.shape_cast %swap3A_510 : vector<1x16xf32> to vector<16xf32>
          %swap3A_512 = vector.shape_cast %bitcast_convert_type3A_492 : vector<16xf32> to vector<1x16xf32>
          tpu.vector_store %arg8[%swap3A_508, %swap3A_509], %swap3A_512 {add = true, strides = array<i32>} : memref<16x1024xf32, #tpu.memory_space<vmem>>, vector<1x16xf32>,
          %scan3A_513 = arith.constant 7 : i32
          %scan3A_514 = arith.addi %scan3A_266, %scan3A_513 : i32
          %mul3A_515 = arith.constant 16 : i32
          %mul3A_516 = arith.muli %scan3A_514, %mul3A_515 : i32
          %get3A_517 = arith.index_cast %scan3A_259 : i32 to index
          %get3A_518 = arith.index_cast %mul3A_516 : i32 to index
          %get3A_519 = tpu.vector_load %arg12[%get3A_517, %get3A_518] {strides = array<i32>} : memref<16x512xi32, #tpu.memory_space<vmem>>, vector<1x16xi32>,
          %get3A_520 = vector.shape_cast %get3A_519 : vector<1x16xi32> to vector<16xi32>
          %shift_left3A_521 = arith.constant 16 : i32
          %shift_left3A_522 = vector.broadcast %shift_left3A_521 : i32 to vector<16xi32>
          %shift_left3A_523 = arith.shli %get3A_520, %shift_left3A_522 : vector<16xi32>
          %bitcast_convert_type3A_524 = tpu.bitcast %shift_left3A_523 : vector<16xi32> -> vector<16xf32>
          %and3A_525 = arith.constant -65536 : i32
          %and3A_526 = vector.broadcast %and3A_525 : i32 to vector<16xi32>
          %and3A_527 = arith.andi %get3A_520, %and3A_526 : vector<16xi32>
          %bitcast_convert_type3A_528 = tpu.bitcast %and3A_527 : vector<16xi32> -> vector<16xf32>
          %mul3A_529 = arith.constant 2 : i32
          %mul3A_530 = arith.muli %scan3A_514, %mul3A_529 : i32
          %mul3A_531 = arith.constant 16 : i32
          %mul3A_532 = arith.muli %mul3A_530, %mul3A_531 : i32
          %swap3A_533 = arith.index_cast %scan3A_259 : i32 to index
          %swap3A_534 = arith.index_cast %mul3A_532 : i32 to index
          %swap3A_535 = tpu.vector_load %arg8[%swap3A_533, %swap3A_534] {strides = array<i32>} : memref<16x1024xf32, #tpu.memory_space<vmem>>, vector<1x16xf32>,
          %swap3A_536 = vector.shape_cast %swap3A_535 : vector<1x16xf32> to vector<16xf32>
          %swap3A_537 = vector.shape_cast %bitcast_convert_type3A_524 : vector<16xf32> to vector<1x16xf32>
          tpu.vector_store %arg8[%swap3A_533, %swap3A_534], %swap3A_537 {add = true, strides = array<i32>} : memref<16x1024xf32, #tpu.memory_space<vmem>>, vector<1x16xf32>,
          %mul3A_538 = arith.constant 2 : i32
          %mul3A_539 = arith.muli %scan3A_514, %mul3A_538 : i32
          %mul3A_540 = arith.constant 16 : i32
          %mul3A_541 = arith.muli %mul3A_539, %mul3A_540 : i32
          %add3A_542 = arith.constant 16 : i32
          %add3A_543 = arith.addi %mul3A_541, %add3A_542 : i32
          %swap3A_544 = arith.index_cast %scan3A_259 : i32 to index
          %swap3A_545 = arith.index_cast %add3A_543 : i32 to index
          %swap3A_546 = tpu.vector_load %arg8[%swap3A_544, %swap3A_545] {strides = array<i32>} : memref<16x1024xf32, #tpu.memory_space<vmem>>, vector<1x16xf32>,
          %swap3A_547 = vector.shape_cast %swap3A_546 : vector<1x16xf32> to vector<16xf32>
          %swap3A_548 = vector.shape_cast %bitcast_convert_type3A_528 : vector<16xf32> to vector<1x16xf32>
          tpu.vector_store %arg8[%swap3A_544, %swap3A_545], %swap3A_548 {add = true, strides = array<i32>} : memref<16x1024xf32, #tpu.memory_space<vmem>>, vector<1x16xf32>,
        }
        %scan3A_265 = arith.constant 32 : i32
      }
      %scan3A_136 = arith.constant 16 : i32
      %add3A_137 = arith.constant 2 : i32
      %add3A_138 = arith.addi %add3A_118, %add3A_137 : i32
      %lt3A_139 = arith.constant 64 : i32
      %lt3A_140 = arith.cmpi slt, %add3A_138, %lt3A_139 : i32
      %convert_element_type3A_141 = arith.extui %lt3A_140 : i1 to i32
      %cond3A_142 = arith.constant 0 : i32
      %cond3A_143 = arith.cmpi ne, %convert_element_type3A_141, %cond3A_142 : i32
      scf.if %cond3A_143 {
        %add3A_259 = arith.constant 2 : i32
        %add3A_260 = arith.addi %add3A_118, %add3A_259 : i32
        %mul3A_261 = arith.constant 16 : i32
        %mul3A_262 = arith.muli %add3A_260, %mul3A_261 : i32
        %dma_start3A_263 = tpu.memref_slice %arg6[%mul3A_262] : memref<1024xi32, #tpu.memory_space<vmem>> -> memref<16xi32, #tpu.memory_space<vmem>>
        %dma_start3A_264 = arith.constant 0 : i32
        %dma_start3A_265 = arith.constant 0 : i32
        %dma_start3A_266 = tpu.memref_slice %arg4[%dma_start3A_264, %dma_start3A_265] : memref<352x512xi32, #tpu.memory_space<hbm>> -> memref<352x512xi32, #tpu.memory_space<hbm>>
        tpu.enqueue_indirect_dma source(%dma_start3A_266 : memref<352x512xi32, #tpu.memory_space<hbm>>) target(%arg12 : memref<16x512xi32, #tpu.memory_space<vmem>>) offsets(%dma_start3A_263 : memref<16xi32, #tpu.memory_space<vmem>>) semaphore(%arg18 : memref<!tpu.dma_semaphore, #tpu.memory_space<semaphore_mem>>)
      } else {
      }
      %mul3A_144 = arith.constant 16 : i32
      %mul3A_145 = arith.muli %add3A_118, %mul3A_144 : i32
      %add3A_146 = arith.addi %mul3A_2, %mul3A_145 : i32
      %dma_start3A_147 = arith.constant 0 : i32
      %dma_start3A_148 = tpu.memref_slice %arg5[%add3A_146, %dma_start3A_147] : memref<32768x1024xf32, #tpu.memory_space<hbm>> -> memref<16x1024xf32, #tpu.memory_space<hbm>>
      %dma_start3A_149 = arith.constant 0 : i32
      %dma_start3A_150 = tpu.memref_slice %arg5[%add3A_146, %dma_start3A_149] : memref<32768x1024xf32, #tpu.memory_space<hbm>> -> memref<16x1024xf32, #tpu.memory_space<hbm>>
      tpu.enqueue_dma source(%arg8 : memref<16x1024xf32, #tpu.memory_space<vmem>>) target(%dma_start3A_150 : memref<16x1024xf32, #tpu.memory_space<hbm>>) target_semaphore(%arg20 : memref<!tpu.dma_semaphore, #tpu.memory_space<semaphore_mem>>)
      %ge3A_151 = arith.constant 1 : i32
      %ge3A_152 = arith.cmpi sge, %add3A_118, %ge3A_151 : i32
      %add3A_153 = arith.constant 4 : i32
      %add3A_154 = arith.addi %add3A_118, %add3A_153 : i32
      %sub3A_155 = arith.constant 1 : i32
      %sub3A_156 = arith.subi %add3A_154, %sub3A_155 : i32
      %lt3A_157 = arith.constant 64 : i32
      %lt3A_158 = arith.cmpi slt, %sub3A_156, %lt3A_157 : i32
      %and3A_159 = arith.andi %ge3A_152, %lt3A_158 : i1
      %convert_element_type3A_160 = arith.extui %and3A_159 : i1 to i32
      %cond3A_161 = arith.constant 0 : i32
      %cond3A_162 = arith.cmpi ne, %convert_element_type3A_160, %cond3A_161 : i32
      scf.if %cond3A_162 {
        %dma_wait3A_259 = arith.constant 0 : i32
        %dma_wait3A_260 = arith.constant 0 : i32
        %dma_wait3A_261 = tpu.memref_slice %arg5[%dma_wait3A_259, %dma_wait3A_260] : memref<32768x1024xf32, #tpu.memory_space<hbm>> -> memref<16x1024xf32, #tpu.memory_space<hbm>>
        %dma_wait3A_262 = arith.constant 0 : i32
        %dma_wait3A_263 = arith.constant 0 : i32
        %dma_wait3A_264 = tpu.memref_slice %arg5[%dma_wait3A_262, %dma_wait3A_263] : memref<32768x1024xf32, #tpu.memory_space<hbm>> -> memref<16x1024xf32, #tpu.memory_space<hbm>>
        tpu.wait_dma2 semaphore(%arg19 : memref<!tpu.dma_semaphore, #tpu.memory_space<semaphore_mem>>) src(%arg7 : memref<16x1024xf32, #tpu.memory_space<vmem>>) dst(%dma_wait3A_264 : memref<16x1024xf32, #tpu.memory_space<hbm>>)
        %add3A_265 = arith.constant 4 : i32
        %add3A_266 = arith.addi %add3A_118, %add3A_265 : i32
        %sub3A_267 = arith.constant 1 : i32
        %sub3A_268 = arith.subi %add3A_266, %sub3A_267 : i32
        %mul3A_269 = arith.constant 16 : i32
        %mul3A_270 = arith.muli %sub3A_268, %mul3A_269 : i32
        %add3A_271 = arith.addi %mul3A_2, %mul3A_270 : i32
        %dma_start3A_272 = arith.constant 0 : i32
        %dma_start3A_273 = tpu.memref_slice %arg2[%add3A_271, %dma_start3A_272] : memref<32768x1024xf32, #tpu.memory_space<hbm>> -> memref<16x1024xf32, #tpu.memory_space<hbm>>
        %dma_start3A_274 = arith.constant 0 : i32
        %dma_start3A_275 = tpu.memref_slice %arg2[%add3A_271, %dma_start3A_274] : memref<32768x1024xf32, #tpu.memory_space<hbm>> -> memref<16x1024xf32, #tpu.memory_space<hbm>>
        tpu.enqueue_dma source(%dma_start3A_275 : memref<16x1024xf32, #tpu.memory_space<hbm>>) target(%arg7 : memref<16x1024xf32, #tpu.memory_space<vmem>>) target_semaphore(%arg13 : memref<!tpu.dma_semaphore, #tpu.memory_space<semaphore_mem>>)
      } else {
      }
      %mul3A_163 = arith.constant 4 : i32
      %mul3A_164 = arith.muli %scan3A_72, %mul3A_163 : i32
      %add3A_165 = arith.constant 2 : i32
      %add3A_166 = arith.addi %mul3A_164, %add3A_165 : i32
      %dma_wait3A_167 = arith.constant 0 : i32
      %dma_wait3A_168 = arith.constant 0 : i32
      %dma_wait3A_169 = tpu.memref_slice %arg2[%dma_wait3A_167, %dma_wait3A_168] : memref<32768x1024xf32, #tpu.memory_space<hbm>> -> memref<16x1024xf32, #tpu.memory_space<hbm>>
      %dma_wait3A_170 = arith.constant 0 : i32
      %dma_wait3A_171 = arith.constant 0 : i32
      %dma_wait3A_172 = tpu.memref_slice %arg2[%dma_wait3A_170, %dma_wait3A_171] : memref<32768x1024xf32, #tpu.memory_space<hbm>> -> memref<16x1024xf32, #tpu.memory_space<hbm>>
      tpu.wait_dma2 semaphore(%arg15 : memref<!tpu.dma_semaphore, #tpu.memory_space<semaphore_mem>>) src(%dma_wait3A_172 : memref<16x1024xf32, #tpu.memory_space<hbm>>) dst(%arg9 : memref<16x1024xf32, #tpu.memory_space<vmem>>)
      %dma_wait3A_173 = arith.constant 0 : i32
      %dma_wait3A_174 = arith.constant 0 : i32
      %dma_wait3A_175 = tpu.memref_slice %arg2[%dma_wait3A_173, %dma_wait3A_174] : memref<32768x1024xf32, #tpu.memory_space<hbm>> -> memref<16x1024xf32, #tpu.memory_space<hbm>>
      %dma_wait3A_176 = arith.constant 0 : i32
      %dma_wait3A_177 = arith.constant 0 : i32
      %dma_wait3A_178 = tpu.memref_slice %arg2[%dma_wait3A_176, %dma_wait3A_177] : memref<32768x1024xf32, #tpu.memory_space<hbm>> -> memref<16x1024xf32, #tpu.memory_space<hbm>>
      tpu.wait_dma2 semaphore(%arg17 : memref<!tpu.dma_semaphore, #tpu.memory_space<semaphore_mem>>) src(%dma_wait3A_178 : memref<16x1024xf32, #tpu.memory_space<hbm>>) dst(%arg11 : memref<16x512xi32, #tpu.memory_space<vmem>>)
      %scan3A_179 = arith.constant 0 : i32
      %scan3A_180 = arith.constant 0 : i32
      %scan3A_181 = arith.constant 16 : i32
      %scan3A_182 = arith.addi %scan3A_180, %scan3A_181 : i32
      %scan3A_183 = arith.constant 1 : i32
      scf.for %scan3A_259 = %scan3A_180 to %scan3A_182 step %scan3A_183  : i32 {
        %scan3A_260 = arith.constant 0 : i32
        %scan3A_261 = arith.constant 0 : i32
        %scan3A_262 = arith.constant 32 : i32
        %scan3A_263 = arith.addi %scan3A_261, %scan3A_262 : i32
        %scan3A_264 = arith.constant 8 : i32
        scf.for %scan3A_266 = %scan3A_261 to %scan3A_263 step %scan3A_264  : i32 {
          %mul3A_267 = arith.constant 16 : i32
          %mul3A_268 = arith.muli %scan3A_266, %mul3A_267 : i32
          %get3A = arith.index_cast %scan3A_259 : i32 to index
          %get3A_269 = arith.index_cast %mul3A_268 : i32 to index
          %get3A_270 = tpu.vector_load %arg11[%get3A, %get3A_269] {strides = array<i32>} : memref<16x512xi32, #tpu.memory_space<vmem>>, vector<1x16xi32>,
          %get3A_271 = vector.shape_cast %get3A_270 : vector<1x16xi32> to vector<16xi32>
          %shift_left3A = arith.constant 16 : i32
          %shift_left3A_272 = vector.broadcast %shift_left3A : i32 to vector<16xi32>
          %shift_left3A_273 = arith.shli %get3A_271, %shift_left3A_272 : vector<16xi32>
          %bitcast_convert_type3A = tpu.bitcast %shift_left3A_273 : vector<16xi32> -> vector<16xf32>
          %and3A_274 = arith.constant -65536 : i32
          %and3A_275 = vector.broadcast %and3A_274 : i32 to vector<16xi32>
          %and3A_276 = arith.andi %get3A_271, %and3A_275 : vector<16xi32>
          %bitcast_convert_type3A_277 = tpu.bitcast %and3A_276 : vector<16xi32> -> vector<16xf32>
          %mul3A_278 = arith.constant 2 : i32
          %mul3A_279 = arith.muli %scan3A_266, %mul3A_278 : i32
          %mul3A_280 = arith.constant 16 : i32
          %mul3A_281 = arith.muli %mul3A_279, %mul3A_280 : i32
          %swap3A = arith.index_cast %scan3A_259 : i32 to index
          %swap3A_282 = arith.index_cast %mul3A_281 : i32 to index
          %swap3A_283 = tpu.vector_load %arg9[%swap3A, %swap3A_282] {strides = array<i32>} : memref<16x1024xf32, #tpu.memory_space<vmem>>, vector<1x16xf32>,
          %swap3A_284 = vector.shape_cast %swap3A_283 : vector<1x16xf32> to vector<16xf32>
          %swap3A_285 = vector.shape_cast %bitcast_convert_type3A : vector<16xf32> to vector<1x16xf32>
          tpu.vector_store %arg9[%swap3A, %swap3A_282], %swap3A_285 {add = true, strides = array<i32>} : memref<16x1024xf32, #tpu.memory_space<vmem>>, vector<1x16xf32>,
          %mul3A_286 = arith.constant 2 : i32
          %mul3A_287 = arith.muli %scan3A_266, %mul3A_286 : i32
          %mul3A_288 = arith.constant 16 : i32
          %mul3A_289 = arith.muli %mul3A_287, %mul3A_288 : i32
          %add3A_290 = arith.constant 16 : i32
          %add3A_291 = arith.addi %mul3A_289, %add3A_290 : i32
          %swap3A_292 = arith.index_cast %scan3A_259 : i32 to index
          %swap3A_293 = arith.index_cast %add3A_291 : i32 to index
          %swap3A_294 = tpu.vector_load %arg9[%swap3A_292, %swap3A_293] {strides = array<i32>} : memref<16x1024xf32, #tpu.memory_space<vmem>>, vector<1x16xf32>,
          %swap3A_295 = vector.shape_cast %swap3A_294 : vector<1x16xf32> to vector<16xf32>
          %swap3A_296 = vector.shape_cast %bitcast_convert_type3A_277 : vector<16xf32> to vector<1x16xf32>
          tpu.vector_store %arg9[%swap3A_292, %swap3A_293], %swap3A_296 {add = true, strides = array<i32>} : memref<16x1024xf32, #tpu.memory_space<vmem>>, vector<1x16xf32>,
          %scan3A_297 = arith.constant 1 : i32
          %scan3A_298 = arith.addi %scan3A_266, %scan3A_297 : i32
          %mul3A_299 = arith.constant 16 : i32
          %mul3A_300 = arith.muli %scan3A_298, %mul3A_299 : i32
          %get3A_301 = arith.index_cast %scan3A_259 : i32 to index
          %get3A_302 = arith.index_cast %mul3A_300 : i32 to index
          %get3A_303 = tpu.vector_load %arg11[%get3A_301, %get3A_302] {strides = array<i32>} : memref<16x512xi32, #tpu.memory_space<vmem>>, vector<1x16xi32>,
          %get3A_304 = vector.shape_cast %get3A_303 : vector<1x16xi32> to vector<16xi32>
          %shift_left3A_305 = arith.constant 16 : i32
          %shift_left3A_306 = vector.broadcast %shift_left3A_305 : i32 to vector<16xi32>
          %shift_left3A_307 = arith.shli %get3A_304, %shift_left3A_306 : vector<16xi32>
          %bitcast_convert_type3A_308 = tpu.bitcast %shift_left3A_307 : vector<16xi32> -> vector<16xf32>
          %and3A_309 = arith.constant -65536 : i32
          %and3A_310 = vector.broadcast %and3A_309 : i32 to vector<16xi32>
          %and3A_311 = arith.andi %get3A_304, %and3A_310 : vector<16xi32>
          %bitcast_convert_type3A_312 = tpu.bitcast %and3A_311 : vector<16xi32> -> vector<16xf32>
          %mul3A_313 = arith.constant 2 : i32
          %mul3A_314 = arith.muli %scan3A_298, %mul3A_313 : i32
          %mul3A_315 = arith.constant 16 : i32
          %mul3A_316 = arith.muli %mul3A_314, %mul3A_315 : i32
          %swap3A_317 = arith.index_cast %scan3A_259 : i32 to index
          %swap3A_318 = arith.index_cast %mul3A_316 : i32 to index
          %swap3A_319 = tpu.vector_load %arg9[%swap3A_317, %swap3A_318] {strides = array<i32>} : memref<16x1024xf32, #tpu.memory_space<vmem>>, vector<1x16xf32>,
          %swap3A_320 = vector.shape_cast %swap3A_319 : vector<1x16xf32> to vector<16xf32>
          %swap3A_321 = vector.shape_cast %bitcast_convert_type3A_308 : vector<16xf32> to vector<1x16xf32>
          tpu.vector_store %arg9[%swap3A_317, %swap3A_318], %swap3A_321 {add = true, strides = array<i32>} : memref<16x1024xf32, #tpu.memory_space<vmem>>, vector<1x16xf32>,
          %mul3A_322 = arith.constant 2 : i32
          %mul3A_323 = arith.muli %scan3A_298, %mul3A_322 : i32
          %mul3A_324 = arith.constant 16 : i32
          %mul3A_325 = arith.muli %mul3A_323, %mul3A_324 : i32
          %add3A_326 = arith.constant 16 : i32
          %add3A_327 = arith.addi %mul3A_325, %add3A_326 : i32
          %swap3A_328 = arith.index_cast %scan3A_259 : i32 to index
          %swap3A_329 = arith.index_cast %add3A_327 : i32 to index
          %swap3A_330 = tpu.vector_load %arg9[%swap3A_328, %swap3A_329] {strides = array<i32>} : memref<16x1024xf32, #tpu.memory_space<vmem>>, vector<1x16xf32>,
          %swap3A_331 = vector.shape_cast %swap3A_330 : vector<1x16xf32> to vector<16xf32>
          %swap3A_332 = vector.shape_cast %bitcast_convert_type3A_312 : vector<16xf32> to vector<1x16xf32>
          tpu.vector_store %arg9[%swap3A_328, %swap3A_329], %swap3A_332 {add = true, strides = array<i32>} : memref<16x1024xf32, #tpu.memory_space<vmem>>, vector<1x16xf32>,
          %scan3A_333 = arith.constant 2 : i32
          %scan3A_334 = arith.addi %scan3A_266, %scan3A_333 : i32
          %mul3A_335 = arith.constant 16 : i32
          %mul3A_336 = arith.muli %scan3A_334, %mul3A_335 : i32
          %get3A_337 = arith.index_cast %scan3A_259 : i32 to index
          %get3A_338 = arith.index_cast %mul3A_336 : i32 to index
          %get3A_339 = tpu.vector_load %arg11[%get3A_337, %get3A_338] {strides = array<i32>} : memref<16x512xi32, #tpu.memory_space<vmem>>, vector<1x16xi32>,
          %get3A_340 = vector.shape_cast %get3A_339 : vector<1x16xi32> to vector<16xi32>
          %shift_left3A_341 = arith.constant 16 : i32
          %shift_left3A_342 = vector.broadcast %shift_left3A_341 : i32 to vector<16xi32>
          %shift_left3A_343 = arith.shli %get3A_340, %shift_left3A_342 : vector<16xi32>
          %bitcast_convert_type3A_344 = tpu.bitcast %shift_left3A_343 : vector<16xi32> -> vector<16xf32>
          %and3A_345 = arith.constant -65536 : i32
          %and3A_346 = vector.broadcast %and3A_345 : i32 to vector<16xi32>
          %and3A_347 = arith.andi %get3A_340, %and3A_346 : vector<16xi32>
          %bitcast_convert_type3A_348 = tpu.bitcast %and3A_347 : vector<16xi32> -> vector<16xf32>
          %mul3A_349 = arith.constant 2 : i32
          %mul3A_350 = arith.muli %scan3A_334, %mul3A_349 : i32
          %mul3A_351 = arith.constant 16 : i32
          %mul3A_352 = arith.muli %mul3A_350, %mul3A_351 : i32
          %swap3A_353 = arith.index_cast %scan3A_259 : i32 to index
          %swap3A_354 = arith.index_cast %mul3A_352 : i32 to index
          %swap3A_355 = tpu.vector_load %arg9[%swap3A_353, %swap3A_354] {strides = array<i32>} : memref<16x1024xf32, #tpu.memory_space<vmem>>, vector<1x16xf32>,
          %swap3A_356 = vector.shape_cast %swap3A_355 : vector<1x16xf32> to vector<16xf32>
          %swap3A_357 = vector.shape_cast %bitcast_convert_type3A_344 : vector<16xf32> to vector<1x16xf32>
          tpu.vector_store %arg9[%swap3A_353, %swap3A_354], %swap3A_357 {add = true, strides = array<i32>} : memref<16x1024xf32, #tpu.memory_space<vmem>>, vector<1x16xf32>,
          %mul3A_358 = arith.constant 2 : i32
          %mul3A_359 = arith.muli %scan3A_334, %mul3A_358 : i32
          %mul3A_360 = arith.constant 16 : i32
          %mul3A_361 = arith.muli %mul3A_359, %mul3A_360 : i32
          %add3A_362 = arith.constant 16 : i32
          %add3A_363 = arith.addi %mul3A_361, %add3A_362 : i32
          %swap3A_364 = arith.index_cast %scan3A_259 : i32 to index
          %swap3A_365 = arith.index_cast %add3A_363 : i32 to index
          %swap3A_366 = tpu.vector_load %arg9[%swap3A_364, %swap3A_365] {strides = array<i32>} : memref<16x1024xf32, #tpu.memory_space<vmem>>, vector<1x16xf32>,
          %swap3A_367 = vector.shape_cast %swap3A_366 : vector<1x16xf32> to vector<16xf32>
          %swap3A_368 = vector.shape_cast %bitcast_convert_type3A_348 : vector<16xf32> to vector<1x16xf32>
          tpu.vector_store %arg9[%swap3A_364, %swap3A_365], %swap3A_368 {add = true, strides = array<i32>} : memref<16x1024xf32, #tpu.memory_space<vmem>>, vector<1x16xf32>,
          %scan3A_369 = arith.constant 3 : i32
          %scan3A_370 = arith.addi %scan3A_266, %scan3A_369 : i32
          %mul3A_371 = arith.constant 16 : i32
          %mul3A_372 = arith.muli %scan3A_370, %mul3A_371 : i32
          %get3A_373 = arith.index_cast %scan3A_259 : i32 to index
          %get3A_374 = arith.index_cast %mul3A_372 : i32 to index
          %get3A_375 = tpu.vector_load %arg11[%get3A_373, %get3A_374] {strides = array<i32>} : memref<16x512xi32, #tpu.memory_space<vmem>>, vector<1x16xi32>,
          %get3A_376 = vector.shape_cast %get3A_375 : vector<1x16xi32> to vector<16xi32>
          %shift_left3A_377 = arith.constant 16 : i32
          %shift_left3A_378 = vector.broadcast %shift_left3A_377 : i32 to vector<16xi32>
          %shift_left3A_379 = arith.shli %get3A_376, %shift_left3A_378 : vector<16xi32>
          %bitcast_convert_type3A_380 = tpu.bitcast %shift_left3A_379 : vector<16xi32> -> vector<16xf32>
          %and3A_381 = arith.constant -65536 : i32
          %and3A_382 = vector.broadcast %and3A_381 : i32 to vector<16xi32>
          %and3A_383 = arith.andi %get3A_376, %and3A_382 : vector<16xi32>
          %bitcast_convert_type3A_384 = tpu.bitcast %and3A_383 : vector<16xi32> -> vector<16xf32>
          %mul3A_385 = arith.constant 2 : i32
          %mul3A_386 = arith.muli %scan3A_370, %mul3A_385 : i32
          %mul3A_387 = arith.constant 16 : i32
          %mul3A_388 = arith.muli %mul3A_386, %mul3A_387 : i32
          %swap3A_389 = arith.index_cast %scan3A_259 : i32 to index
          %swap3A_390 = arith.index_cast %mul3A_388 : i32 to index
          %swap3A_391 = tpu.vector_load %arg9[%swap3A_389, %swap3A_390] {strides = array<i32>} : memref<16x1024xf32, #tpu.memory_space<vmem>>, vector<1x16xf32>,
          %swap3A_392 = vector.shape_cast %swap3A_391 : vector<1x16xf32> to vector<16xf32>
          %swap3A_393 = vector.shape_cast %bitcast_convert_type3A_380 : vector<16xf32> to vector<1x16xf32>
          tpu.vector_store %arg9[%swap3A_389, %swap3A_390], %swap3A_393 {add = true, strides = array<i32>} : memref<16x1024xf32, #tpu.memory_space<vmem>>, vector<1x16xf32>,
          %mul3A_394 = arith.constant 2 : i32
          %mul3A_395 = arith.muli %scan3A_370, %mul3A_394 : i32
          %mul3A_396 = arith.constant 16 : i32
          %mul3A_397 = arith.muli %mul3A_395, %mul3A_396 : i32
          %add3A_398 = arith.constant 16 : i32
          %add3A_399 = arith.addi %mul3A_397, %add3A_398 : i32
          %swap3A_400 = arith.index_cast %scan3A_259 : i32 to index
          %swap3A_401 = arith.index_cast %add3A_399 : i32 to index
          %swap3A_402 = tpu.vector_load %arg9[%swap3A_400, %swap3A_401] {strides = array<i32>} : memref<16x1024xf32, #tpu.memory_space<vmem>>, vector<1x16xf32>,
          %swap3A_403 = vector.shape_cast %swap3A_402 : vector<1x16xf32> to vector<16xf32>
          %swap3A_404 = vector.shape_cast %bitcast_convert_type3A_384 : vector<16xf32> to vector<1x16xf32>
          tpu.vector_store %arg9[%swap3A_400, %swap3A_401], %swap3A_404 {add = true, strides = array<i32>} : memref<16x1024xf32, #tpu.memory_space<vmem>>, vector<1x16xf32>,
          %scan3A_405 = arith.constant 4 : i32
          %scan3A_406 = arith.addi %scan3A_266, %scan3A_405 : i32
          %mul3A_407 = arith.constant 16 : i32
          %mul3A_408 = arith.muli %scan3A_406, %mul3A_407 : i32
          %get3A_409 = arith.index_cast %scan3A_259 : i32 to index
          %get3A_410 = arith.index_cast %mul3A_408 : i32 to index
          %get3A_411 = tpu.vector_load %arg11[%get3A_409, %get3A_410] {strides = array<i32>} : memref<16x512xi32, #tpu.memory_space<vmem>>, vector<1x16xi32>,
          %get3A_412 = vector.shape_cast %get3A_411 : vector<1x16xi32> to vector<16xi32>
          %shift_left3A_413 = arith.constant 16 : i32
          %shift_left3A_414 = vector.broadcast %shift_left3A_413 : i32 to vector<16xi32>
          %shift_left3A_415 = arith.shli %get3A_412, %shift_left3A_414 : vector<16xi32>
          %bitcast_convert_type3A_416 = tpu.bitcast %shift_left3A_415 : vector<16xi32> -> vector<16xf32>
          %and3A_417 = arith.constant -65536 : i32
          %and3A_418 = vector.broadcast %and3A_417 : i32 to vector<16xi32>
          %and3A_419 = arith.andi %get3A_412, %and3A_418 : vector<16xi32>
          %bitcast_convert_type3A_420 = tpu.bitcast %and3A_419 : vector<16xi32> -> vector<16xf32>
          %mul3A_421 = arith.constant 2 : i32
          %mul3A_422 = arith.muli %scan3A_406, %mul3A_421 : i32
          %mul3A_423 = arith.constant 16 : i32
          %mul3A_424 = arith.muli %mul3A_422, %mul3A_423 : i32
          %swap3A_425 = arith.index_cast %scan3A_259 : i32 to index
          %swap3A_426 = arith.index_cast %mul3A_424 : i32 to index
          %swap3A_427 = tpu.vector_load %arg9[%swap3A_425, %swap3A_426] {strides = array<i32>} : memref<16x1024xf32, #tpu.memory_space<vmem>>, vector<1x16xf32>,
          %swap3A_428 = vector.shape_cast %swap3A_427 : vector<1x16xf32> to vector<16xf32>
          %swap3A_429 = vector.shape_cast %bitcast_convert_type3A_416 : vector<16xf32> to vector<1x16xf32>
          tpu.vector_store %arg9[%swap3A_425, %swap3A_426], %swap3A_429 {add = true, strides = array<i32>} : memref<16x1024xf32, #tpu.memory_space<vmem>>, vector<1x16xf32>,
          %mul3A_430 = arith.constant 2 : i32
          %mul3A_431 = arith.muli %scan3A_406, %mul3A_430 : i32
          %mul3A_432 = arith.constant 16 : i32
          %mul3A_433 = arith.muli %mul3A_431, %mul3A_432 : i32
          %add3A_434 = arith.constant 16 : i32
          %add3A_435 = arith.addi %mul3A_433, %add3A_434 : i32
          %swap3A_436 = arith.index_cast %scan3A_259 : i32 to index
          %swap3A_437 = arith.index_cast %add3A_435 : i32 to index
          %swap3A_438 = tpu.vector_load %arg9[%swap3A_436, %swap3A_437] {strides = array<i32>} : memref<16x1024xf32, #tpu.memory_space<vmem>>, vector<1x16xf32>,
          %swap3A_439 = vector.shape_cast %swap3A_438 : vector<1x16xf32> to vector<16xf32>
          %swap3A_440 = vector.shape_cast %bitcast_convert_type3A_420 : vector<16xf32> to vector<1x16xf32>
          tpu.vector_store %arg9[%swap3A_436, %swap3A_437], %swap3A_440 {add = true, strides = array<i32>} : memref<16x1024xf32, #tpu.memory_space<vmem>>, vector<1x16xf32>,
          %scan3A_441 = arith.constant 5 : i32
          %scan3A_442 = arith.addi %scan3A_266, %scan3A_441 : i32
          %mul3A_443 = arith.constant 16 : i32
          %mul3A_444 = arith.muli %scan3A_442, %mul3A_443 : i32
          %get3A_445 = arith.index_cast %scan3A_259 : i32 to index
          %get3A_446 = arith.index_cast %mul3A_444 : i32 to index
          %get3A_447 = tpu.vector_load %arg11[%get3A_445, %get3A_446] {strides = array<i32>} : memref<16x512xi32, #tpu.memory_space<vmem>>, vector<1x16xi32>,
          %get3A_448 = vector.shape_cast %get3A_447 : vector<1x16xi32> to vector<16xi32>
          %shift_left3A_449 = arith.constant 16 : i32
          %shift_left3A_450 = vector.broadcast %shift_left3A_449 : i32 to vector<16xi32>
          %shift_left3A_451 = arith.shli %get3A_448, %shift_left3A_450 : vector<16xi32>
          %bitcast_convert_type3A_452 = tpu.bitcast %shift_left3A_451 : vector<16xi32> -> vector<16xf32>
          %and3A_453 = arith.constant -65536 : i32
          %and3A_454 = vector.broadcast %and3A_453 : i32 to vector<16xi32>
          %and3A_455 = arith.andi %get3A_448, %and3A_454 : vector<16xi32>
          %bitcast_convert_type3A_456 = tpu.bitcast %and3A_455 : vector<16xi32> -> vector<16xf32>
          %mul3A_457 = arith.constant 2 : i32
          %mul3A_458 = arith.muli %scan3A_442, %mul3A_457 : i32
          %mul3A_459 = arith.constant 16 : i32
          %mul3A_460 = arith.muli %mul3A_458, %mul3A_459 : i32
          %swap3A_461 = arith.index_cast %scan3A_259 : i32 to index
          %swap3A_462 = arith.index_cast %mul3A_460 : i32 to index
          %swap3A_463 = tpu.vector_load %arg9[%swap3A_461, %swap3A_462] {strides = array<i32>} : memref<16x1024xf32, #tpu.memory_space<vmem>>, vector<1x16xf32>,
          %swap3A_464 = vector.shape_cast %swap3A_463 : vector<1x16xf32> to vector<16xf32>
          %swap3A_465 = vector.shape_cast %bitcast_convert_type3A_452 : vector<16xf32> to vector<1x16xf32>
          tpu.vector_store %arg9[%swap3A_461, %swap3A_462], %swap3A_465 {add = true, strides = array<i32>} : memref<16x1024xf32, #tpu.memory_space<vmem>>, vector<1x16xf32>,
          %mul3A_466 = arith.constant 2 : i32
          %mul3A_467 = arith.muli %scan3A_442, %mul3A_466 : i32
          %mul3A_468 = arith.constant 16 : i32
          %mul3A_469 = arith.muli %mul3A_467, %mul3A_468 : i32
          %add3A_470 = arith.constant 16 : i32
          %add3A_471 = arith.addi %mul3A_469, %add3A_470 : i32
          %swap3A_472 = arith.index_cast %scan3A_259 : i32 to index
          %swap3A_473 = arith.index_cast %add3A_471 : i32 to index
          %swap3A_474 = tpu.vector_load %arg9[%swap3A_472, %swap3A_473] {strides = array<i32>} : memref<16x1024xf32, #tpu.memory_space<vmem>>, vector<1x16xf32>,
          %swap3A_475 = vector.shape_cast %swap3A_474 : vector<1x16xf32> to vector<16xf32>
          %swap3A_476 = vector.shape_cast %bitcast_convert_type3A_456 : vector<16xf32> to vector<1x16xf32>
          tpu.vector_store %arg9[%swap3A_472, %swap3A_473], %swap3A_476 {add = true, strides = array<i32>} : memref<16x1024xf32, #tpu.memory_space<vmem>>, vector<1x16xf32>,
          %scan3A_477 = arith.constant 6 : i32
          %scan3A_478 = arith.addi %scan3A_266, %scan3A_477 : i32
          %mul3A_479 = arith.constant 16 : i32
          %mul3A_480 = arith.muli %scan3A_478, %mul3A_479 : i32
          %get3A_481 = arith.index_cast %scan3A_259 : i32 to index
          %get3A_482 = arith.index_cast %mul3A_480 : i32 to index
          %get3A_483 = tpu.vector_load %arg11[%get3A_481, %get3A_482] {strides = array<i32>} : memref<16x512xi32, #tpu.memory_space<vmem>>, vector<1x16xi32>,
          %get3A_484 = vector.shape_cast %get3A_483 : vector<1x16xi32> to vector<16xi32>
          %shift_left3A_485 = arith.constant 16 : i32
          %shift_left3A_486 = vector.broadcast %shift_left3A_485 : i32 to vector<16xi32>
          %shift_left3A_487 = arith.shli %get3A_484, %shift_left3A_486 : vector<16xi32>
          %bitcast_convert_type3A_488 = tpu.bitcast %shift_left3A_487 : vector<16xi32> -> vector<16xf32>
          %and3A_489 = arith.constant -65536 : i32
          %and3A_490 = vector.broadcast %and3A_489 : i32 to vector<16xi32>
          %and3A_491 = arith.andi %get3A_484, %and3A_490 : vector<16xi32>
          %bitcast_convert_type3A_492 = tpu.bitcast %and3A_491 : vector<16xi32> -> vector<16xf32>
          %mul3A_493 = arith.constant 2 : i32
          %mul3A_494 = arith.muli %scan3A_478, %mul3A_493 : i32
          %mul3A_495 = arith.constant 16 : i32
          %mul3A_496 = arith.muli %mul3A_494, %mul3A_495 : i32
          %swap3A_497 = arith.index_cast %scan3A_259 : i32 to index
          %swap3A_498 = arith.index_cast %mul3A_496 : i32 to index
          %swap3A_499 = tpu.vector_load %arg9[%swap3A_497, %swap3A_498] {strides = array<i32>} : memref<16x1024xf32, #tpu.memory_space<vmem>>, vector<1x16xf32>,
          %swap3A_500 = vector.shape_cast %swap3A_499 : vector<1x16xf32> to vector<16xf32>
          %swap3A_501 = vector.shape_cast %bitcast_convert_type3A_488 : vector<16xf32> to vector<1x16xf32>
          tpu.vector_store %arg9[%swap3A_497, %swap3A_498], %swap3A_501 {add = true, strides = array<i32>} : memref<16x1024xf32, #tpu.memory_space<vmem>>, vector<1x16xf32>,
          %mul3A_502 = arith.constant 2 : i32
          %mul3A_503 = arith.muli %scan3A_478, %mul3A_502 : i32
          %mul3A_504 = arith.constant 16 : i32
          %mul3A_505 = arith.muli %mul3A_503, %mul3A_504 : i32
          %add3A_506 = arith.constant 16 : i32
          %add3A_507 = arith.addi %mul3A_505, %add3A_506 : i32
          %swap3A_508 = arith.index_cast %scan3A_259 : i32 to index
          %swap3A_509 = arith.index_cast %add3A_507 : i32 to index
          %swap3A_510 = tpu.vector_load %arg9[%swap3A_508, %swap3A_509] {strides = array<i32>} : memref<16x1024xf32, #tpu.memory_space<vmem>>, vector<1x16xf32>,
          %swap3A_511 = vector.shape_cast %swap3A_510 : vector<1x16xf32> to vector<16xf32>
          %swap3A_512 = vector.shape_cast %bitcast_convert_type3A_492 : vector<16xf32> to vector<1x16xf32>
          tpu.vector_store %arg9[%swap3A_508, %swap3A_509], %swap3A_512 {add = true, strides = array<i32>} : memref<16x1024xf32, #tpu.memory_space<vmem>>, vector<1x16xf32>,
          %scan3A_513 = arith.constant 7 : i32
          %scan3A_514 = arith.addi %scan3A_266, %scan3A_513 : i32
          %mul3A_515 = arith.constant 16 : i32
          %mul3A_516 = arith.muli %scan3A_514, %mul3A_515 : i32
          %get3A_517 = arith.index_cast %scan3A_259 : i32 to index
          %get3A_518 = arith.index_cast %mul3A_516 : i32 to index
          %get3A_519 = tpu.vector_load %arg11[%get3A_517, %get3A_518] {strides = array<i32>} : memref<16x512xi32, #tpu.memory_space<vmem>>, vector<1x16xi32>,
          %get3A_520 = vector.shape_cast %get3A_519 : vector<1x16xi32> to vector<16xi32>
          %shift_left3A_521 = arith.constant 16 : i32
          %shift_left3A_522 = vector.broadcast %shift_left3A_521 : i32 to vector<16xi32>
          %shift_left3A_523 = arith.shli %get3A_520, %shift_left3A_522 : vector<16xi32>
          %bitcast_convert_type3A_524 = tpu.bitcast %shift_left3A_523 : vector<16xi32> -> vector<16xf32>
          %and3A_525 = arith.constant -65536 : i32
          %and3A_526 = vector.broadcast %and3A_525 : i32 to vector<16xi32>
          %and3A_527 = arith.andi %get3A_520, %and3A_526 : vector<16xi32>
          %bitcast_convert_type3A_528 = tpu.bitcast %and3A_527 : vector<16xi32> -> vector<16xf32>
          %mul3A_529 = arith.constant 2 : i32
          %mul3A_530 = arith.muli %scan3A_514, %mul3A_529 : i32
          %mul3A_531 = arith.constant 16 : i32
          %mul3A_532 = arith.muli %mul3A_530, %mul3A_531 : i32
          %swap3A_533 = arith.index_cast %scan3A_259 : i32 to index
          %swap3A_534 = arith.index_cast %mul3A_532 : i32 to index
          %swap3A_535 = tpu.vector_load %arg9[%swap3A_533, %swap3A_534] {strides = array<i32>} : memref<16x1024xf32, #tpu.memory_space<vmem>>, vector<1x16xf32>,
          %swap3A_536 = vector.shape_cast %swap3A_535 : vector<1x16xf32> to vector<16xf32>
          %swap3A_537 = vector.shape_cast %bitcast_convert_type3A_524 : vector<16xf32> to vector<1x16xf32>
          tpu.vector_store %arg9[%swap3A_533, %swap3A_534], %swap3A_537 {add = true, strides = array<i32>} : memref<16x1024xf32, #tpu.memory_space<vmem>>, vector<1x16xf32>,
          %mul3A_538 = arith.constant 2 : i32
          %mul3A_539 = arith.muli %scan3A_514, %mul3A_538 : i32
          %mul3A_540 = arith.constant 16 : i32
          %mul3A_541 = arith.muli %mul3A_539, %mul3A_540 : i32
          %add3A_542 = arith.constant 16 : i32
          %add3A_543 = arith.addi %mul3A_541, %add3A_542 : i32
          %swap3A_544 = arith.index_cast %scan3A_259 : i32 to index
          %swap3A_545 = arith.index_cast %add3A_543 : i32 to index
          %swap3A_546 = tpu.vector_load %arg9[%swap3A_544, %swap3A_545] {strides = array<i32>} : memref<16x1024xf32, #tpu.memory_space<vmem>>, vector<1x16xf32>,
          %swap3A_547 = vector.shape_cast %swap3A_546 : vector<1x16xf32> to vector<16xf32>
          %swap3A_548 = vector.shape_cast %bitcast_convert_type3A_528 : vector<16xf32> to vector<1x16xf32>
          tpu.vector_store %arg9[%swap3A_544, %swap3A_545], %swap3A_548 {add = true, strides = array<i32>} : memref<16x1024xf32, #tpu.memory_space<vmem>>, vector<1x16xf32>,
        }
        %scan3A_265 = arith.constant 32 : i32
      }
      %scan3A_184 = arith.constant 16 : i32
      %add3A_185 = arith.constant 2 : i32
      %add3A_186 = arith.addi %add3A_166, %add3A_185 : i32
      %lt3A_187 = arith.constant 64 : i32
      %lt3A_188 = arith.cmpi slt, %add3A_186, %lt3A_187 : i32
      %convert_element_type3A_189 = arith.extui %lt3A_188 : i1 to i32
      %cond3A_190 = arith.constant 0 : i32
      %cond3A_191 = arith.cmpi ne, %convert_element_type3A_189, %cond3A_190 : i32
      scf.if %cond3A_191 {
        %add3A_259 = arith.constant 2 : i32
        %add3A_260 = arith.addi %add3A_166, %add3A_259 : i32
        %mul3A_261 = arith.constant 16 : i32
        %mul3A_262 = arith.muli %add3A_260, %mul3A_261 : i32
        %dma_start3A_263 = tpu.memref_slice %arg6[%mul3A_262] : memref<1024xi32, #tpu.memory_space<vmem>> -> memref<16xi32, #tpu.memory_space<vmem>>
        %dma_start3A_264 = arith.constant 0 : i32
        %dma_start3A_265 = arith.constant 0 : i32
        %dma_start3A_266 = tpu.memref_slice %arg4[%dma_start3A_264, %dma_start3A_265] : memref<352x512xi32, #tpu.memory_space<hbm>> -> memref<352x512xi32, #tpu.memory_space<hbm>>
        tpu.enqueue_indirect_dma source(%dma_start3A_266 : memref<352x512xi32, #tpu.memory_space<hbm>>) target(%arg11 : memref<16x512xi32, #tpu.memory_space<vmem>>) offsets(%dma_start3A_263 : memref<16xi32, #tpu.memory_space<vmem>>) semaphore(%arg17 : memref<!tpu.dma_semaphore, #tpu.memory_space<semaphore_mem>>)
      } else {
      }
      %mul3A_192 = arith.constant 16 : i32
      %mul3A_193 = arith.muli %add3A_166, %mul3A_192 : i32
      %add3A_194 = arith.addi %mul3A_2, %mul3A_193 : i32
      %dma_start3A_195 = arith.constant 0 : i32
      %dma_start3A_196 = tpu.memref_slice %arg5[%add3A_194, %dma_start3A_195] : memref<32768x1024xf32, #tpu.memory_space<hbm>> -> memref<16x1024xf32, #tpu.memory_space<hbm>>
      %dma_start3A_197 = arith.constant 0 : i32
      %dma_start3A_198 = tpu.memref_slice %arg5[%add3A_194, %dma_start3A_197] : memref<32768x1024xf32, #tpu.memory_space<hbm>> -> memref<16x1024xf32, #tpu.memory_space<hbm>>
      tpu.enqueue_dma source(%arg9 : memref<16x1024xf32, #tpu.memory_space<vmem>>) target(%dma_start3A_198 : memref<16x1024xf32, #tpu.memory_space<hbm>>) target_semaphore(%arg21 : memref<!tpu.dma_semaphore, #tpu.memory_space<semaphore_mem>>)
      %ge3A_199 = arith.constant 1 : i32
      %ge3A_200 = arith.cmpi sge, %add3A_166, %ge3A_199 : i32
      %add3A_201 = arith.constant 4 : i32
      %add3A_202 = arith.addi %add3A_166, %add3A_201 : i32
      %sub3A_203 = arith.constant 1 : i32
      %sub3A_204 = arith.subi %add3A_202, %sub3A_203 : i32
      %lt3A_205 = arith.constant 64 : i32
      %lt3A_206 = arith.cmpi slt, %sub3A_204, %lt3A_205 : i32
      %and3A_207 = arith.andi %ge3A_200, %lt3A_206 : i1
      %convert_element_type3A_208 = arith.extui %and3A_207 : i1 to i32
      %cond3A_209 = arith.constant 0 : i32
      %cond3A_210 = arith.cmpi ne, %convert_element_type3A_208, %cond3A_209 : i32
      scf.if %cond3A_210 {
        %dma_wait3A_259 = arith.constant 0 : i32
        %dma_wait3A_260 = arith.constant 0 : i32
        %dma_wait3A_261 = tpu.memref_slice %arg5[%dma_wait3A_259, %dma_wait3A_260] : memref<32768x1024xf32, #tpu.memory_space<hbm>> -> memref<16x1024xf32, #tpu.memory_space<hbm>>
        %dma_wait3A_262 = arith.constant 0 : i32
        %dma_wait3A_263 = arith.constant 0 : i32
        %dma_wait3A_264 = tpu.memref_slice %arg5[%dma_wait3A_262, %dma_wait3A_263] : memref<32768x1024xf32, #tpu.memory_space<hbm>> -> memref<16x1024xf32, #tpu.memory_space<hbm>>
        tpu.wait_dma2 semaphore(%arg20 : memref<!tpu.dma_semaphore, #tpu.memory_space<semaphore_mem>>) src(%arg8 : memref<16x1024xf32, #tpu.memory_space<vmem>>) dst(%dma_wait3A_264 : memref<16x1024xf32, #tpu.memory_space<hbm>>)
        %add3A_265 = arith.constant 4 : i32
        %add3A_266 = arith.addi %add3A_166, %add3A_265 : i32
        %sub3A_267 = arith.constant 1 : i32
        %sub3A_268 = arith.subi %add3A_266, %sub3A_267 : i32
        %mul3A_269 = arith.constant 16 : i32
        %mul3A_270 = arith.muli %sub3A_268, %mul3A_269 : i32
        %add3A_271 = arith.addi %mul3A_2, %mul3A_270 : i32
        %dma_start3A_272 = arith.constant 0 : i32
        %dma_start3A_273 = tpu.memref_slice %arg2[%add3A_271, %dma_start3A_272] : memref<32768x1024xf32, #tpu.memory_space<hbm>> -> memref<16x1024xf32, #tpu.memory_space<hbm>>
        %dma_start3A_274 = arith.constant 0 : i32
        %dma_start3A_275 = tpu.memref_slice %arg2[%add3A_271, %dma_start3A_274] : memref<32768x1024xf32, #tpu.memory_space<hbm>> -> memref<16x1024xf32, #tpu.memory_space<hbm>>
        tpu.enqueue_dma source(%dma_start3A_275 : memref<16x1024xf32, #tpu.memory_space<hbm>>) target(%arg8 : memref<16x1024xf32, #tpu.memory_space<vmem>>) target_semaphore(%arg14 : memref<!tpu.dma_semaphore, #tpu.memory_space<semaphore_mem>>)
      } else {
      }
      %mul3A_211 = arith.constant 4 : i32
      %mul3A_212 = arith.muli %scan3A_72, %mul3A_211 : i32
      %add3A_213 = arith.constant 3 : i32
      %add3A_214 = arith.addi %mul3A_212, %add3A_213 : i32
      %dma_wait3A_215 = arith.constant 0 : i32
      %dma_wait3A_216 = arith.constant 0 : i32
      %dma_wait3A_217 = tpu.memref_slice %arg2[%dma_wait3A_215, %dma_wait3A_216] : memref<32768x1024xf32, #tpu.memory_space<hbm>> -> memref<16x1024xf32, #tpu.memory_space<hbm>>
      %dma_wait3A_218 = arith.constant 0 : i32
      %dma_wait3A_219 = arith.constant 0 : i32
      %dma_wait3A_220 = tpu.memref_slice %arg2[%dma_wait3A_218, %dma_wait3A_219] : memref<32768x1024xf32, #tpu.memory_space<hbm>> -> memref<16x1024xf32, #tpu.memory_space<hbm>>
      tpu.wait_dma2 semaphore(%arg16 : memref<!tpu.dma_semaphore, #tpu.memory_space<semaphore_mem>>) src(%dma_wait3A_220 : memref<16x1024xf32, #tpu.memory_space<hbm>>) dst(%arg10 : memref<16x1024xf32, #tpu.memory_space<vmem>>)
      %dma_wait3A_221 = arith.constant 0 : i32
      %dma_wait3A_222 = arith.constant 0 : i32
      %dma_wait3A_223 = tpu.memref_slice %arg2[%dma_wait3A_221, %dma_wait3A_222] : memref<32768x1024xf32, #tpu.memory_space<hbm>> -> memref<16x1024xf32, #tpu.memory_space<hbm>>
      %dma_wait3A_224 = arith.constant 0 : i32
      %dma_wait3A_225 = arith.constant 0 : i32
      %dma_wait3A_226 = tpu.memref_slice %arg2[%dma_wait3A_224, %dma_wait3A_225] : memref<32768x1024xf32, #tpu.memory_space<hbm>> -> memref<16x1024xf32, #tpu.memory_space<hbm>>
      tpu.wait_dma2 semaphore(%arg18 : memref<!tpu.dma_semaphore, #tpu.memory_space<semaphore_mem>>) src(%dma_wait3A_226 : memref<16x1024xf32, #tpu.memory_space<hbm>>) dst(%arg12 : memref<16x512xi32, #tpu.memory_space<vmem>>)
      %scan3A_227 = arith.constant 0 : i32
      %scan3A_228 = arith.constant 0 : i32
      %scan3A_229 = arith.constant 16 : i32
      %scan3A_230 = arith.addi %scan3A_228, %scan3A_229 : i32
      %scan3A_231 = arith.constant 1 : i32
      scf.for %scan3A_259 = %scan3A_228 to %scan3A_230 step %scan3A_231  : i32 {
        %scan3A_260 = arith.constant 0 : i32
        %scan3A_261 = arith.constant 0 : i32
        %scan3A_262 = arith.constant 32 : i32
        %scan3A_263 = arith.addi %scan3A_261, %scan3A_262 : i32
        %scan3A_264 = arith.constant 8 : i32
        scf.for %scan3A_266 = %scan3A_261 to %scan3A_263 step %scan3A_264  : i32 {
          %mul3A_267 = arith.constant 16 : i32
          %mul3A_268 = arith.muli %scan3A_266, %mul3A_267 : i32
          %get3A = arith.index_cast %scan3A_259 : i32 to index
          %get3A_269 = arith.index_cast %mul3A_268 : i32 to index
          %get3A_270 = tpu.vector_load %arg12[%get3A, %get3A_269] {strides = array<i32>} : memref<16x512xi32, #tpu.memory_space<vmem>>, vector<1x16xi32>,
          %get3A_271 = vector.shape_cast %get3A_270 : vector<1x16xi32> to vector<16xi32>
          %shift_left3A = arith.constant 16 : i32
          %shift_left3A_272 = vector.broadcast %shift_left3A : i32 to vector<16xi32>
          %shift_left3A_273 = arith.shli %get3A_271, %shift_left3A_272 : vector<16xi32>
          %bitcast_convert_type3A = tpu.bitcast %shift_left3A_273 : vector<16xi32> -> vector<16xf32>
          %and3A_274 = arith.constant -65536 : i32
          %and3A_275 = vector.broadcast %and3A_274 : i32 to vector<16xi32>
          %and3A_276 = arith.andi %get3A_271, %and3A_275 : vector<16xi32>
          %bitcast_convert_type3A_277 = tpu.bitcast %and3A_276 : vector<16xi32> -> vector<16xf32>
          %mul3A_278 = arith.constant 2 : i32
          %mul3A_279 = arith.muli %scan3A_266, %mul3A_278 : i32
          %mul3A_280 = arith.constant 16 : i32
          %mul3A_281 = arith.muli %mul3A_279, %mul3A_280 : i32
          %swap3A = arith.index_cast %scan3A_259 : i32 to index
          %swap3A_282 = arith.index_cast %mul3A_281 : i32 to index
          %swap3A_283 = tpu.vector_load %arg10[%swap3A, %swap3A_282] {strides = array<i32>} : memref<16x1024xf32, #tpu.memory_space<vmem>>, vector<1x16xf32>,
          %swap3A_284 = vector.shape_cast %swap3A_283 : vector<1x16xf32> to vector<16xf32>
          %swap3A_285 = vector.shape_cast %bitcast_convert_type3A : vector<16xf32> to vector<1x16xf32>
          tpu.vector_store %arg10[%swap3A, %swap3A_282], %swap3A_285 {add = true, strides = array<i32>} : memref<16x1024xf32, #tpu.memory_space<vmem>>, vector<1x16xf32>,
          %mul3A_286 = arith.constant 2 : i32
          %mul3A_287 = arith.muli %scan3A_266, %mul3A_286 : i32
          %mul3A_288 = arith.constant 16 : i32
          %mul3A_289 = arith.muli %mul3A_287, %mul3A_288 : i32
          %add3A_290 = arith.constant 16 : i32
          %add3A_291 = arith.addi %mul3A_289, %add3A_290 : i32
          %swap3A_292 = arith.index_cast %scan3A_259 : i32 to index
          %swap3A_293 = arith.index_cast %add3A_291 : i32 to index
          %swap3A_294 = tpu.vector_load %arg10[%swap3A_292, %swap3A_293] {strides = array<i32>} : memref<16x1024xf32, #tpu.memory_space<vmem>>, vector<1x16xf32>,
          %swap3A_295 = vector.shape_cast %swap3A_294 : vector<1x16xf32> to vector<16xf32>
          %swap3A_296 = vector.shape_cast %bitcast_convert_type3A_277 : vector<16xf32> to vector<1x16xf32>
          tpu.vector_store %arg10[%swap3A_292, %swap3A_293], %swap3A_296 {add = true, strides = array<i32>} : memref<16x1024xf32, #tpu.memory_space<vmem>>, vector<1x16xf32>,
          %scan3A_297 = arith.constant 1 : i32
          %scan3A_298 = arith.addi %scan3A_266, %scan3A_297 : i32
          %mul3A_299 = arith.constant 16 : i32
          %mul3A_300 = arith.muli %scan3A_298, %mul3A_299 : i32
          %get3A_301 = arith.index_cast %scan3A_259 : i32 to index
          %get3A_302 = arith.index_cast %mul3A_300 : i32 to index
          %get3A_303 = tpu.vector_load %arg12[%get3A_301, %get3A_302] {strides = array<i32>} : memref<16x512xi32, #tpu.memory_space<vmem>>, vector<1x16xi32>,
          %get3A_304 = vector.shape_cast %get3A_303 : vector<1x16xi32> to vector<16xi32>
          %shift_left3A_305 = arith.constant 16 : i32
          %shift_left3A_306 = vector.broadcast %shift_left3A_305 : i32 to vector<16xi32>
          %shift_left3A_307 = arith.shli %get3A_304, %shift_left3A_306 : vector<16xi32>
          %bitcast_convert_type3A_308 = tpu.bitcast %shift_left3A_307 : vector<16xi32> -> vector<16xf32>
          %and3A_309 = arith.constant -65536 : i32
          %and3A_310 = vector.broadcast %and3A_309 : i32 to vector<16xi32>
          %and3A_311 = arith.andi %get3A_304, %and3A_310 : vector<16xi32>
          %bitcast_convert_type3A_312 = tpu.bitcast %and3A_311 : vector<16xi32> -> vector<16xf32>
          %mul3A_313 = arith.constant 2 : i32
          %mul3A_314 = arith.muli %scan3A_298, %mul3A_313 : i32
          %mul3A_315 = arith.constant 16 : i32
          %mul3A_316 = arith.muli %mul3A_314, %mul3A_315 : i32
          %swap3A_317 = arith.index_cast %scan3A_259 : i32 to index
          %swap3A_318 = arith.index_cast %mul3A_316 : i32 to index
          %swap3A_319 = tpu.vector_load %arg10[%swap3A_317, %swap3A_318] {strides = array<i32>} : memref<16x1024xf32, #tpu.memory_space<vmem>>, vector<1x16xf32>,
          %swap3A_320 = vector.shape_cast %swap3A_319 : vector<1x16xf32> to vector<16xf32>
          %swap3A_321 = vector.shape_cast %bitcast_convert_type3A_308 : vector<16xf32> to vector<1x16xf32>
          tpu.vector_store %arg10[%swap3A_317, %swap3A_318], %swap3A_321 {add = true, strides = array<i32>} : memref<16x1024xf32, #tpu.memory_space<vmem>>, vector<1x16xf32>,
          %mul3A_322 = arith.constant 2 : i32
          %mul3A_323 = arith.muli %scan3A_298, %mul3A_322 : i32
          %mul3A_324 = arith.constant 16 : i32
          %mul3A_325 = arith.muli %mul3A_323, %mul3A_324 : i32
          %add3A_326 = arith.constant 16 : i32
          %add3A_327 = arith.addi %mul3A_325, %add3A_326 : i32
          %swap3A_328 = arith.index_cast %scan3A_259 : i32 to index
          %swap3A_329 = arith.index_cast %add3A_327 : i32 to index
          %swap3A_330 = tpu.vector_load %arg10[%swap3A_328, %swap3A_329] {strides = array<i32>} : memref<16x1024xf32, #tpu.memory_space<vmem>>, vector<1x16xf32>,
          %swap3A_331 = vector.shape_cast %swap3A_330 : vector<1x16xf32> to vector<16xf32>
          %swap3A_332 = vector.shape_cast %bitcast_convert_type3A_312 : vector<16xf32> to vector<1x16xf32>
          tpu.vector_store %arg10[%swap3A_328, %swap3A_329], %swap3A_332 {add = true, strides = array<i32>} : memref<16x1024xf32, #tpu.memory_space<vmem>>, vector<1x16xf32>,
          %scan3A_333 = arith.constant 2 : i32
          %scan3A_334 = arith.addi %scan3A_266, %scan3A_333 : i32
          %mul3A_335 = arith.constant 16 : i32
          %mul3A_336 = arith.muli %scan3A_334, %mul3A_335 : i32
          %get3A_337 = arith.index_cast %scan3A_259 : i32 to index
          %get3A_338 = arith.index_cast %mul3A_336 : i32 to index
          %get3A_339 = tpu.vector_load %arg12[%get3A_337, %get3A_338] {strides = array<i32>} : memref<16x512xi32, #tpu.memory_space<vmem>>, vector<1x16xi32>,
          %get3A_340 = vector.shape_cast %get3A_339 : vector<1x16xi32> to vector<16xi32>
          %shift_left3A_341 = arith.constant 16 : i32
          %shift_left3A_342 = vector.broadcast %shift_left3A_341 : i32 to vector<16xi32>
          %shift_left3A_343 = arith.shli %get3A_340, %shift_left3A_342 : vector<16xi32>
          %bitcast_convert_type3A_344 = tpu.bitcast %shift_left3A_343 : vector<16xi32> -> vector<16xf32>
          %and3A_345 = arith.constant -65536 : i32
          %and3A_346 = vector.broadcast %and3A_345 : i32 to vector<16xi32>
          %and3A_347 = arith.andi %get3A_340, %and3A_346 : vector<16xi32>
          %bitcast_convert_type3A_348 = tpu.bitcast %and3A_347 : vector<16xi32> -> vector<16xf32>
          %mul3A_349 = arith.constant 2 : i32
          %mul3A_350 = arith.muli %scan3A_334, %mul3A_349 : i32
          %mul3A_351 = arith.constant 16 : i32
          %mul3A_352 = arith.muli %mul3A_350, %mul3A_351 : i32
          %swap3A_353 = arith.index_cast %scan3A_259 : i32 to index
          %swap3A_354 = arith.index_cast %mul3A_352 : i32 to index
          %swap3A_355 = tpu.vector_load %arg10[%swap3A_353, %swap3A_354] {strides = array<i32>} : memref<16x1024xf32, #tpu.memory_space<vmem>>, vector<1x16xf32>,
          %swap3A_356 = vector.shape_cast %swap3A_355 : vector<1x16xf32> to vector<16xf32>
          %swap3A_357 = vector.shape_cast %bitcast_convert_type3A_344 : vector<16xf32> to vector<1x16xf32>
          tpu.vector_store %arg10[%swap3A_353, %swap3A_354], %swap3A_357 {add = true, strides = array<i32>} : memref<16x1024xf32, #tpu.memory_space<vmem>>, vector<1x16xf32>,
          %mul3A_358 = arith.constant 2 : i32
          %mul3A_359 = arith.muli %scan3A_334, %mul3A_358 : i32
          %mul3A_360 = arith.constant 16 : i32
          %mul3A_361 = arith.muli %mul3A_359, %mul3A_360 : i32
          %add3A_362 = arith.constant 16 : i32
          %add3A_363 = arith.addi %mul3A_361, %add3A_362 : i32
          %swap3A_364 = arith.index_cast %scan3A_259 : i32 to index
          %swap3A_365 = arith.index_cast %add3A_363 : i32 to index
          %swap3A_366 = tpu.vector_load %arg10[%swap3A_364, %swap3A_365] {strides = array<i32>} : memref<16x1024xf32, #tpu.memory_space<vmem>>, vector<1x16xf32>,
          %swap3A_367 = vector.shape_cast %swap3A_366 : vector<1x16xf32> to vector<16xf32>
          %swap3A_368 = vector.shape_cast %bitcast_convert_type3A_348 : vector<16xf32> to vector<1x16xf32>
          tpu.vector_store %arg10[%swap3A_364, %swap3A_365], %swap3A_368 {add = true, strides = array<i32>} : memref<16x1024xf32, #tpu.memory_space<vmem>>, vector<1x16xf32>,
          %scan3A_369 = arith.constant 3 : i32
          %scan3A_370 = arith.addi %scan3A_266, %scan3A_369 : i32
          %mul3A_371 = arith.constant 16 : i32
          %mul3A_372 = arith.muli %scan3A_370, %mul3A_371 : i32
          %get3A_373 = arith.index_cast %scan3A_259 : i32 to index
          %get3A_374 = arith.index_cast %mul3A_372 : i32 to index
          %get3A_375 = tpu.vector_load %arg12[%get3A_373, %get3A_374] {strides = array<i32>} : memref<16x512xi32, #tpu.memory_space<vmem>>, vector<1x16xi32>,
          %get3A_376 = vector.shape_cast %get3A_375 : vector<1x16xi32> to vector<16xi32>
          %shift_left3A_377 = arith.constant 16 : i32
          %shift_left3A_378 = vector.broadcast %shift_left3A_377 : i32 to vector<16xi32>
          %shift_left3A_379 = arith.shli %get3A_376, %shift_left3A_378 : vector<16xi32>
          %bitcast_convert_type3A_380 = tpu.bitcast %shift_left3A_379 : vector<16xi32> -> vector<16xf32>
          %and3A_381 = arith.constant -65536 : i32
          %and3A_382 = vector.broadcast %and3A_381 : i32 to vector<16xi32>
          %and3A_383 = arith.andi %get3A_376, %and3A_382 : vector<16xi32>
          %bitcast_convert_type3A_384 = tpu.bitcast %and3A_383 : vector<16xi32> -> vector<16xf32>
          %mul3A_385 = arith.constant 2 : i32
          %mul3A_386 = arith.muli %scan3A_370, %mul3A_385 : i32
          %mul3A_387 = arith.constant 16 : i32
          %mul3A_388 = arith.muli %mul3A_386, %mul3A_387 : i32
          %swap3A_389 = arith.index_cast %scan3A_259 : i32 to index
          %swap3A_390 = arith.index_cast %mul3A_388 : i32 to index
          %swap3A_391 = tpu.vector_load %arg10[%swap3A_389, %swap3A_390] {strides = array<i32>} : memref<16x1024xf32, #tpu.memory_space<vmem>>, vector<1x16xf32>,
          %swap3A_392 = vector.shape_cast %swap3A_391 : vector<1x16xf32> to vector<16xf32>
          %swap3A_393 = vector.shape_cast %bitcast_convert_type3A_380 : vector<16xf32> to vector<1x16xf32>
          tpu.vector_store %arg10[%swap3A_389, %swap3A_390], %swap3A_393 {add = true, strides = array<i32>} : memref<16x1024xf32, #tpu.memory_space<vmem>>, vector<1x16xf32>,
          %mul3A_394 = arith.constant 2 : i32
          %mul3A_395 = arith.muli %scan3A_370, %mul3A_394 : i32
          %mul3A_396 = arith.constant 16 : i32
          %mul3A_397 = arith.muli %mul3A_395, %mul3A_396 : i32
          %add3A_398 = arith.constant 16 : i32
          %add3A_399 = arith.addi %mul3A_397, %add3A_398 : i32
          %swap3A_400 = arith.index_cast %scan3A_259 : i32 to index
          %swap3A_401 = arith.index_cast %add3A_399 : i32 to index
          %swap3A_402 = tpu.vector_load %arg10[%swap3A_400, %swap3A_401] {strides = array<i32>} : memref<16x1024xf32, #tpu.memory_space<vmem>>, vector<1x16xf32>,
          %swap3A_403 = vector.shape_cast %swap3A_402 : vector<1x16xf32> to vector<16xf32>
          %swap3A_404 = vector.shape_cast %bitcast_convert_type3A_384 : vector<16xf32> to vector<1x16xf32>
          tpu.vector_store %arg10[%swap3A_400, %swap3A_401], %swap3A_404 {add = true, strides = array<i32>} : memref<16x1024xf32, #tpu.memory_space<vmem>>, vector<1x16xf32>,
          %scan3A_405 = arith.constant 4 : i32
          %scan3A_406 = arith.addi %scan3A_266, %scan3A_405 : i32
          %mul3A_407 = arith.constant 16 : i32
          %mul3A_408 = arith.muli %scan3A_406, %mul3A_407 : i32
          %get3A_409 = arith.index_cast %scan3A_259 : i32 to index
          %get3A_410 = arith.index_cast %mul3A_408 : i32 to index
          %get3A_411 = tpu.vector_load %arg12[%get3A_409, %get3A_410] {strides = array<i32>} : memref<16x512xi32, #tpu.memory_space<vmem>>, vector<1x16xi32>,
          %get3A_412 = vector.shape_cast %get3A_411 : vector<1x16xi32> to vector<16xi32>
          %shift_left3A_413 = arith.constant 16 : i32
          %shift_left3A_414 = vector.broadcast %shift_left3A_413 : i32 to vector<16xi32>
          %shift_left3A_415 = arith.shli %get3A_412, %shift_left3A_414 : vector<16xi32>
          %bitcast_convert_type3A_416 = tpu.bitcast %shift_left3A_415 : vector<16xi32> -> vector<16xf32>
          %and3A_417 = arith.constant -65536 : i32
          %and3A_418 = vector.broadcast %and3A_417 : i32 to vector<16xi32>
          %and3A_419 = arith.andi %get3A_412, %and3A_418 : vector<16xi32>
          %bitcast_convert_type3A_420 = tpu.bitcast %and3A_419 : vector<16xi32> -> vector<16xf32>
          %mul3A_421 = arith.constant 2 : i32
          %mul3A_422 = arith.muli %scan3A_406, %mul3A_421 : i32
          %mul3A_423 = arith.constant 16 : i32
          %mul3A_424 = arith.muli %mul3A_422, %mul3A_423 : i32
          %swap3A_425 = arith.index_cast %scan3A_259 : i32 to index
          %swap3A_426 = arith.index_cast %mul3A_424 : i32 to index
          %swap3A_427 = tpu.vector_load %arg10[%swap3A_425, %swap3A_426] {strides = array<i32>} : memref<16x1024xf32, #tpu.memory_space<vmem>>, vector<1x16xf32>,
          %swap3A_428 = vector.shape_cast %swap3A_427 : vector<1x16xf32> to vector<16xf32>
          %swap3A_429 = vector.shape_cast %bitcast_convert_type3A_416 : vector<16xf32> to vector<1x16xf32>
          tpu.vector_store %arg10[%swap3A_425, %swap3A_426], %swap3A_429 {add = true, strides = array<i32>} : memref<16x1024xf32, #tpu.memory_space<vmem>>, vector<1x16xf32>,
          %mul3A_430 = arith.constant 2 : i32
          %mul3A_431 = arith.muli %scan3A_406, %mul3A_430 : i32
          %mul3A_432 = arith.constant 16 : i32
          %mul3A_433 = arith.muli %mul3A_431, %mul3A_432 : i32
          %add3A_434 = arith.constant 16 : i32
          %add3A_435 = arith.addi %mul3A_433, %add3A_434 : i32
          %swap3A_436 = arith.index_cast %scan3A_259 : i32 to index
          %swap3A_437 = arith.index_cast %add3A_435 : i32 to index
          %swap3A_438 = tpu.vector_load %arg10[%swap3A_436, %swap3A_437] {strides = array<i32>} : memref<16x1024xf32, #tpu.memory_space<vmem>>, vector<1x16xf32>,
          %swap3A_439 = vector.shape_cast %swap3A_438 : vector<1x16xf32> to vector<16xf32>
          %swap3A_440 = vector.shape_cast %bitcast_convert_type3A_420 : vector<16xf32> to vector<1x16xf32>
          tpu.vector_store %arg10[%swap3A_436, %swap3A_437], %swap3A_440 {add = true, strides = array<i32>} : memref<16x1024xf32, #tpu.memory_space<vmem>>, vector<1x16xf32>,
          %scan3A_441 = arith.constant 5 : i32
          %scan3A_442 = arith.addi %scan3A_266, %scan3A_441 : i32
          %mul3A_443 = arith.constant 16 : i32
          %mul3A_444 = arith.muli %scan3A_442, %mul3A_443 : i32
          %get3A_445 = arith.index_cast %scan3A_259 : i32 to index
          %get3A_446 = arith.index_cast %mul3A_444 : i32 to index
          %get3A_447 = tpu.vector_load %arg12[%get3A_445, %get3A_446] {strides = array<i32>} : memref<16x512xi32, #tpu.memory_space<vmem>>, vector<1x16xi32>,
          %get3A_448 = vector.shape_cast %get3A_447 : vector<1x16xi32> to vector<16xi32>
          %shift_left3A_449 = arith.constant 16 : i32
          %shift_left3A_450 = vector.broadcast %shift_left3A_449 : i32 to vector<16xi32>
          %shift_left3A_451 = arith.shli %get3A_448, %shift_left3A_450 : vector<16xi32>
          %bitcast_convert_type3A_452 = tpu.bitcast %shift_left3A_451 : vector<16xi32> -> vector<16xf32>
          %and3A_453 = arith.constant -65536 : i32
          %and3A_454 = vector.broadcast %and3A_453 : i32 to vector<16xi32>
          %and3A_455 = arith.andi %get3A_448, %and3A_454 : vector<16xi32>
          %bitcast_convert_type3A_456 = tpu.bitcast %and3A_455 : vector<16xi32> -> vector<16xf32>
          %mul3A_457 = arith.constant 2 : i32
          %mul3A_458 = arith.muli %scan3A_442, %mul3A_457 : i32
          %mul3A_459 = arith.constant 16 : i32
          %mul3A_460 = arith.muli %mul3A_458, %mul3A_459 : i32
          %swap3A_461 = arith.index_cast %scan3A_259 : i32 to index
          %swap3A_462 = arith.index_cast %mul3A_460 : i32 to index
          %swap3A_463 = tpu.vector_load %arg10[%swap3A_461, %swap3A_462] {strides = array<i32>} : memref<16x1024xf32, #tpu.memory_space<vmem>>, vector<1x16xf32>,
          %swap3A_464 = vector.shape_cast %swap3A_463 : vector<1x16xf32> to vector<16xf32>
          %swap3A_465 = vector.shape_cast %bitcast_convert_type3A_452 : vector<16xf32> to vector<1x16xf32>
          tpu.vector_store %arg10[%swap3A_461, %swap3A_462], %swap3A_465 {add = true, strides = array<i32>} : memref<16x1024xf32, #tpu.memory_space<vmem>>, vector<1x16xf32>,
          %mul3A_466 = arith.constant 2 : i32
          %mul3A_467 = arith.muli %scan3A_442, %mul3A_466 : i32
          %mul3A_468 = arith.constant 16 : i32
          %mul3A_469 = arith.muli %mul3A_467, %mul3A_468 : i32
          %add3A_470 = arith.constant 16 : i32
          %add3A_471 = arith.addi %mul3A_469, %add3A_470 : i32
          %swap3A_472 = arith.index_cast %scan3A_259 : i32 to index
          %swap3A_473 = arith.index_cast %add3A_471 : i32 to index
          %swap3A_474 = tpu.vector_load %arg10[%swap3A_472, %swap3A_473] {strides = array<i32>} : memref<16x1024xf32, #tpu.memory_space<vmem>>, vector<1x16xf32>,
          %swap3A_475 = vector.shape_cast %swap3A_474 : vector<1x16xf32> to vector<16xf32>
          %swap3A_476 = vector.shape_cast %bitcast_convert_type3A_456 : vector<16xf32> to vector<1x16xf32>
          tpu.vector_store %arg10[%swap3A_472, %swap3A_473], %swap3A_476 {add = true, strides = array<i32>} : memref<16x1024xf32, #tpu.memory_space<vmem>>, vector<1x16xf32>,
          %scan3A_477 = arith.constant 6 : i32
          %scan3A_478 = arith.addi %scan3A_266, %scan3A_477 : i32
          %mul3A_479 = arith.constant 16 : i32
          %mul3A_480 = arith.muli %scan3A_478, %mul3A_479 : i32
          %get3A_481 = arith.index_cast %scan3A_259 : i32 to index
          %get3A_482 = arith.index_cast %mul3A_480 : i32 to index
          %get3A_483 = tpu.vector_load %arg12[%get3A_481, %get3A_482] {strides = array<i32>} : memref<16x512xi32, #tpu.memory_space<vmem>>, vector<1x16xi32>,
          %get3A_484 = vector.shape_cast %get3A_483 : vector<1x16xi32> to vector<16xi32>
          %shift_left3A_485 = arith.constant 16 : i32
          %shift_left3A_486 = vector.broadcast %shift_left3A_485 : i32 to vector<16xi32>
          %shift_left3A_487 = arith.shli %get3A_484, %shift_left3A_486 : vector<16xi32>
          %bitcast_convert_type3A_488 = tpu.bitcast %shift_left3A_487 : vector<16xi32> -> vector<16xf32>
          %and3A_489 = arith.constant -65536 : i32
          %and3A_490 = vector.broadcast %and3A_489 : i32 to vector<16xi32>
          %and3A_491 = arith.andi %get3A_484, %and3A_490 : vector<16xi32>
          %bitcast_convert_type3A_492 = tpu.bitcast %and3A_491 : vector<16xi32> -> vector<16xf32>
          %mul3A_493 = arith.constant 2 : i32
          %mul3A_494 = arith.muli %scan3A_478, %mul3A_493 : i32
          %mul3A_495 = arith.constant 16 : i32
          %mul3A_496 = arith.muli %mul3A_494, %mul3A_495 : i32
          %swap3A_497 = arith.index_cast %scan3A_259 : i32 to index
          %swap3A_498 = arith.index_cast %mul3A_496 : i32 to index
          %swap3A_499 = tpu.vector_load %arg10[%swap3A_497, %swap3A_498] {strides = array<i32>} : memref<16x1024xf32, #tpu.memory_space<vmem>>, vector<1x16xf32>,
          %swap3A_500 = vector.shape_cast %swap3A_499 : vector<1x16xf32> to vector<16xf32>
          %swap3A_501 = vector.shape_cast %bitcast_convert_type3A_488 : vector<16xf32> to vector<1x16xf32>
          tpu.vector_store %arg10[%swap3A_497, %swap3A_498], %swap3A_501 {add = true, strides = array<i32>} : memref<16x1024xf32, #tpu.memory_space<vmem>>, vector<1x16xf32>,
          %mul3A_502 = arith.constant 2 : i32
          %mul3A_503 = arith.muli %scan3A_478, %mul3A_502 : i32
          %mul3A_504 = arith.constant 16 : i32
          %mul3A_505 = arith.muli %mul3A_503, %mul3A_504 : i32
          %add3A_506 = arith.constant 16 : i32
          %add3A_507 = arith.addi %mul3A_505, %add3A_506 : i32
          %swap3A_508 = arith.index_cast %scan3A_259 : i32 to index
          %swap3A_509 = arith.index_cast %add3A_507 : i32 to index
          %swap3A_510 = tpu.vector_load %arg10[%swap3A_508, %swap3A_509] {strides = array<i32>} : memref<16x1024xf32, #tpu.memory_space<vmem>>, vector<1x16xf32>,
          %swap3A_511 = vector.shape_cast %swap3A_510 : vector<1x16xf32> to vector<16xf32>
          %swap3A_512 = vector.shape_cast %bitcast_convert_type3A_492 : vector<16xf32> to vector<1x16xf32>
          tpu.vector_store %arg10[%swap3A_508, %swap3A_509], %swap3A_512 {add = true, strides = array<i32>} : memref<16x1024xf32, #tpu.memory_space<vmem>>, vector<1x16xf32>,
          %scan3A_513 = arith.constant 7 : i32
          %scan3A_514 = arith.addi %scan3A_266, %scan3A_513 : i32
          %mul3A_515 = arith.constant 16 : i32
          %mul3A_516 = arith.muli %scan3A_514, %mul3A_515 : i32
          %get3A_517 = arith.index_cast %scan3A_259 : i32 to index
          %get3A_518 = arith.index_cast %mul3A_516 : i32 to index
          %get3A_519 = tpu.vector_load %arg12[%get3A_517, %get3A_518] {strides = array<i32>} : memref<16x512xi32, #tpu.memory_space<vmem>>, vector<1x16xi32>,
          %get3A_520 = vector.shape_cast %get3A_519 : vector<1x16xi32> to vector<16xi32>
          %shift_left3A_521 = arith.constant 16 : i32
          %shift_left3A_522 = vector.broadcast %shift_left3A_521 : i32 to vector<16xi32>
          %shift_left3A_523 = arith.shli %get3A_520, %shift_left3A_522 : vector<16xi32>
          %bitcast_convert_type3A_524 = tpu.bitcast %shift_left3A_523 : vector<16xi32> -> vector<16xf32>
          %and3A_525 = arith.constant -65536 : i32
          %and3A_526 = vector.broadcast %and3A_525 : i32 to vector<16xi32>
          %and3A_527 = arith.andi %get3A_520, %and3A_526 : vector<16xi32>
          %bitcast_convert_type3A_528 = tpu.bitcast %and3A_527 : vector<16xi32> -> vector<16xf32>
          %mul3A_529 = arith.constant 2 : i32
          %mul3A_530 = arith.muli %scan3A_514, %mul3A_529 : i32
          %mul3A_531 = arith.constant 16 : i32
          %mul3A_532 = arith.muli %mul3A_530, %mul3A_531 : i32
          %swap3A_533 = arith.index_cast %scan3A_259 : i32 to index
          %swap3A_534 = arith.index_cast %mul3A_532 : i32 to index
          %swap3A_535 = tpu.vector_load %arg10[%swap3A_533, %swap3A_534] {strides = array<i32>} : memref<16x1024xf32, #tpu.memory_space<vmem>>, vector<1x16xf32>,
          %swap3A_536 = vector.shape_cast %swap3A_535 : vector<1x16xf32> to vector<16xf32>
          %swap3A_537 = vector.shape_cast %bitcast_convert_type3A_524 : vector<16xf32> to vector<1x16xf32>
          tpu.vector_store %arg10[%swap3A_533, %swap3A_534], %swap3A_537 {add = true, strides = array<i32>} : memref<16x1024xf32, #tpu.memory_space<vmem>>, vector<1x16xf32>,
          %mul3A_538 = arith.constant 2 : i32
          %mul3A_539 = arith.muli %scan3A_514, %mul3A_538 : i32
          %mul3A_540 = arith.constant 16 : i32
          %mul3A_541 = arith.muli %mul3A_539, %mul3A_540 : i32
          %add3A_542 = arith.constant 16 : i32
          %add3A_543 = arith.addi %mul3A_541, %add3A_542 : i32
          %swap3A_544 = arith.index_cast %scan3A_259 : i32 to index
          %swap3A_545 = arith.index_cast %add3A_543 : i32 to index
          %swap3A_546 = tpu.vector_load %arg10[%swap3A_544, %swap3A_545] {strides = array<i32>} : memref<16x1024xf32, #tpu.memory_space<vmem>>, vector<1x16xf32>,
          %swap3A_547 = vector.shape_cast %swap3A_546 : vector<1x16xf32> to vector<16xf32>
          %swap3A_548 = vector.shape_cast %bitcast_convert_type3A_528 : vector<16xf32> to vector<1x16xf32>
          tpu.vector_store %arg10[%swap3A_544, %swap3A_545], %swap3A_548 {add = true, strides = array<i32>} : memref<16x1024xf32, #tpu.memory_space<vmem>>, vector<1x16xf32>,
        }
        %scan3A_265 = arith.constant 32 : i32
      }
      %scan3A_232 = arith.constant 16 : i32
      %add3A_233 = arith.constant 2 : i32
      %add3A_234 = arith.addi %add3A_214, %add3A_233 : i32
      %lt3A_235 = arith.constant 64 : i32
      %lt3A_236 = arith.cmpi slt, %add3A_234, %lt3A_235 : i32
      %convert_element_type3A_237 = arith.extui %lt3A_236 : i1 to i32
      %cond3A_238 = arith.constant 0 : i32
      %cond3A_239 = arith.cmpi ne, %convert_element_type3A_237, %cond3A_238 : i32
      scf.if %cond3A_239 {
        %add3A_259 = arith.constant 2 : i32
        %add3A_260 = arith.addi %add3A_214, %add3A_259 : i32
        %mul3A_261 = arith.constant 16 : i32
        %mul3A_262 = arith.muli %add3A_260, %mul3A_261 : i32
        %dma_start3A_263 = tpu.memref_slice %arg6[%mul3A_262] : memref<1024xi32, #tpu.memory_space<vmem>> -> memref<16xi32, #tpu.memory_space<vmem>>
        %dma_start3A_264 = arith.constant 0 : i32
        %dma_start3A_265 = arith.constant 0 : i32
        %dma_start3A_266 = tpu.memref_slice %arg4[%dma_start3A_264, %dma_start3A_265] : memref<352x512xi32, #tpu.memory_space<hbm>> -> memref<352x512xi32, #tpu.memory_space<hbm>>
        tpu.enqueue_indirect_dma source(%dma_start3A_266 : memref<352x512xi32, #tpu.memory_space<hbm>>) target(%arg12 : memref<16x512xi32, #tpu.memory_space<vmem>>) offsets(%dma_start3A_263 : memref<16xi32, #tpu.memory_space<vmem>>) semaphore(%arg18 : memref<!tpu.dma_semaphore, #tpu.memory_space<semaphore_mem>>)
      } else {
      }
      %mul3A_240 = arith.constant 16 : i32
      %mul3A_241 = arith.muli %add3A_214, %mul3A_240 : i32
      %add3A_242 = arith.addi %mul3A_2, %mul3A_241 : i32
      %dma_start3A_243 = arith.constant 0 : i32
      %dma_start3A_244 = tpu.memref_slice %arg5[%add3A_242, %dma_start3A_243] : memref<32768x1024xf32, #tpu.memory_space<hbm>> -> memref<16x1024xf32, #tpu.memory_space<hbm>>
      %dma_start3A_245 = arith.constant 0 : i32
      %dma_start3A_246 = tpu.memref_slice %arg5[%add3A_242, %dma_start3A_245] : memref<32768x1024xf32, #tpu.memory_space<hbm>> -> memref<16x1024xf32, #tpu.memory_space<hbm>>
      tpu.enqueue_dma source(%arg10 : memref<16x1024xf32, #tpu.memory_space<vmem>>) target(%dma_start3A_246 : memref<16x1024xf32, #tpu.memory_space<hbm>>) target_semaphore(%arg22 : memref<!tpu.dma_semaphore, #tpu.memory_space<semaphore_mem>>)
      %ge3A_247 = arith.constant 1 : i32
      %ge3A_248 = arith.cmpi sge, %add3A_214, %ge3A_247 : i32
      %add3A_249 = arith.constant 4 : i32
      %add3A_250 = arith.addi %add3A_214, %add3A_249 : i32
      %sub3A_251 = arith.constant 1 : i32
      %sub3A_252 = arith.subi %add3A_250, %sub3A_251 : i32
      %lt3A_253 = arith.constant 64 : i32
      %lt3A_254 = arith.cmpi slt, %sub3A_252, %lt3A_253 : i32
      %and3A_255 = arith.andi %ge3A_248, %lt3A_254 : i1
      %convert_element_type3A_256 = arith.extui %and3A_255 : i1 to i32
      %cond3A_257 = arith.constant 0 : i32
      %cond3A_258 = arith.cmpi ne, %convert_element_type3A_256, %cond3A_257 : i32
      scf.if %cond3A_258 {
        %dma_wait3A_259 = arith.constant 0 : i32
        %dma_wait3A_260 = arith.constant 0 : i32
        %dma_wait3A_261 = tpu.memref_slice %arg5[%dma_wait3A_259, %dma_wait3A_260] : memref<32768x1024xf32, #tpu.memory_space<hbm>> -> memref<16x1024xf32, #tpu.memory_space<hbm>>
        %dma_wait3A_262 = arith.constant 0 : i32
        %dma_wait3A_263 = arith.constant 0 : i32
        %dma_wait3A_264 = tpu.memref_slice %arg5[%dma_wait3A_262, %dma_wait3A_263] : memref<32768x1024xf32, #tpu.memory_space<hbm>> -> memref<16x1024xf32, #tpu.memory_space<hbm>>
        tpu.wait_dma2 semaphore(%arg21 : memref<!tpu.dma_semaphore, #tpu.memory_space<semaphore_mem>>) src(%arg9 : memref<16x1024xf32, #tpu.memory_space<vmem>>) dst(%dma_wait3A_264 : memref<16x1024xf32, #tpu.memory_space<hbm>>)
        %add3A_265 = arith.constant 4 : i32
        %add3A_266 = arith.addi %add3A_214, %add3A_265 : i32
        %sub3A_267 = arith.constant 1 : i32
        %sub3A_268 = arith.subi %add3A_266, %sub3A_267 : i32
        %mul3A_269 = arith.constant 16 : i32
        %mul3A_270 = arith.muli %sub3A_268, %mul3A_269 : i32
        %add3A_271 = arith.addi %mul3A_2, %mul3A_270 : i32
        %dma_start3A_272 = arith.constant 0 : i32
        %dma_start3A_273 = tpu.memref_slice %arg2[%add3A_271, %dma_start3A_272] : memref<32768x1024xf32, #tpu.memory_space<hbm>> -> memref<16x1024xf32, #tpu.memory_space<hbm>>
        %dma_start3A_274 = arith.constant 0 : i32
        %dma_start3A_275 = tpu.memref_slice %arg2[%add3A_271, %dma_start3A_274] : memref<32768x1024xf32, #tpu.memory_space<hbm>> -> memref<16x1024xf32, #tpu.memory_space<hbm>>
        tpu.enqueue_dma source(%dma_start3A_275 : memref<16x1024xf32, #tpu.memory_space<hbm>>) target(%arg9 : memref<16x1024xf32, #tpu.memory_space<vmem>>) target_semaphore(%arg15 : memref<!tpu.dma_semaphore, #tpu.memory_space<semaphore_mem>>)
      } else {
      }
    }
    %scan3A_48 = arith.constant 16 : i32
    %dma_wait3A = arith.constant 0 : i32
    %dma_wait3A_49 = arith.constant 0 : i32
    %dma_wait3A_50 = tpu.memref_slice %arg5[%dma_wait3A, %dma_wait3A_49] : memref<32768x1024xf32, #tpu.memory_space<hbm>> -> memref<16x1024xf32, #tpu.memory_space<hbm>>
    %dma_wait3A_51 = arith.constant 0 : i32
    %dma_wait3A_52 = arith.constant 0 : i32
    %dma_wait3A_53 = tpu.memref_slice %arg5[%dma_wait3A_51, %dma_wait3A_52] : memref<32768x1024xf32, #tpu.memory_space<hbm>> -> memref<16x1024xf32, #tpu.memory_space<hbm>>
    tpu.wait_dma2 semaphore(%arg19 : memref<!tpu.dma_semaphore, #tpu.memory_space<semaphore_mem>>) src(%arg7 : memref<16x1024xf32, #tpu.memory_space<vmem>>) dst(%dma_wait3A_53 : memref<16x1024xf32, #tpu.memory_space<hbm>>)
    %dma_wait3A_54 = arith.constant 0 : i32
    %dma_wait3A_55 = arith.constant 0 : i32
    %dma_wait3A_56 = tpu.memref_slice %arg5[%dma_wait3A_54, %dma_wait3A_55] : memref<32768x1024xf32, #tpu.memory_space<hbm>> -> memref<16x1024xf32, #tpu.memory_space<hbm>>
    %dma_wait3A_57 = arith.constant 0 : i32
    %dma_wait3A_58 = arith.constant 0 : i32
    %dma_wait3A_59 = tpu.memref_slice %arg5[%dma_wait3A_57, %dma_wait3A_58] : memref<32768x1024xf32, #tpu.memory_space<hbm>> -> memref<16x1024xf32, #tpu.memory_space<hbm>>
    tpu.wait_dma2 semaphore(%arg20 : memref<!tpu.dma_semaphore, #tpu.memory_space<semaphore_mem>>) src(%arg8 : memref<16x1024xf32, #tpu.memory_space<vmem>>) dst(%dma_wait3A_59 : memref<16x1024xf32, #tpu.memory_space<hbm>>)
    %dma_wait3A_60 = arith.constant 0 : i32
    %dma_wait3A_61 = arith.constant 0 : i32
    %dma_wait3A_62 = tpu.memref_slice %arg5[%dma_wait3A_60, %dma_wait3A_61] : memref<32768x1024xf32, #tpu.memory_space<hbm>> -> memref<16x1024xf32, #tpu.memory_space<hbm>>
    %dma_wait3A_63 = arith.constant 0 : i32
    %dma_wait3A_64 = arith.constant 0 : i32
    %dma_wait3A_65 = tpu.memref_slice %arg5[%dma_wait3A_63, %dma_wait3A_64] : memref<32768x1024xf32, #tpu.memory_space<hbm>> -> memref<16x1024xf32, #tpu.memory_space<hbm>>
    tpu.wait_dma2 semaphore(%arg21 : memref<!tpu.dma_semaphore, #tpu.memory_space<semaphore_mem>>) src(%arg9 : memref<16x1024xf32, #tpu.memory_space<vmem>>) dst(%dma_wait3A_65 : memref<16x1024xf32, #tpu.memory_space<hbm>>)
    %dma_wait3A_66 = arith.constant 0 : i32
    %dma_wait3A_67 = arith.constant 0 : i32
    %dma_wait3A_68 = tpu.memref_slice %arg5[%dma_wait3A_66, %dma_wait3A_67] : memref<32768x1024xf32, #tpu.memory_space<hbm>> -> memref<16x1024xf32, #tpu.memory_space<hbm>>
    %dma_wait3A_69 = arith.constant 0 : i32
    %dma_wait3A_70 = arith.constant 0 : i32
    %dma_wait3A_71 = tpu.memref_slice %arg5[%dma_wait3A_69, %dma_wait3A_70] : memref<32768x1024xf32, #tpu.memory_space<hbm>> -> memref<16x1024xf32, #tpu.memory_space<hbm>>
    tpu.wait_dma2 semaphore(%arg22 : memref<!tpu.dma_semaphore, #tpu.memory_space<semaphore_mem>>) src(%arg10 : memref<16x1024xf32, #tpu.memory_space<vmem>>) dst(%dma_wait3A_71 : memref<16x1024xf32, #tpu.memory_space<hbm>>)
    return
  }
}

</mosaic_0001>

<sc_bundles>
// kernel: kernel.3.cloned.1.call-start
scs
__scs_entry_jumppad:
0x0: {  	(pc) =	sbr.rel $0x88, $3  }
0x1: {  	(tag) =	ssettag $0x0;
	lr =	simm.s32 $0x1  }
0x2: {  	[smem:$0x3F9E] =	sst lr;
	_ =	strace $0xD0000000  }
0x3: {  	_ = 	snop  }
0x4: {  	_ = 	snop  }
0x5: {  	_ = 	snop  }
0x6: {  	_ = 	snop  }
0x7: {  	_ = 	snop  }
__scs_overlays_trampoline_lowered:
0x8: {  	[smem:$0x3FAD] =	sst s0  }
0x9: {  	[smem:$0x3FAE] =	sst s1  }
0xa: {  	[smem:$0x3FAF] =	sst s2  }
0xb: {  	[smem:$0x3FB0] =	sst s3  }
0xc: {  	[smem:$0x3FB1] =	sst s4  }
0xd: {  	[smem:$0x3FB2] =	sst s5  }
0xe: {  	[smem:$0x3FB3] =	sst s6  }
0xf: {  	[smem:$0x3FB4] =	sst s7  }
0x10: {  	[smem:$0x3FB5] =	sst s8  }
0x11: {  	[smem:$0x3FB6] =	sst s9;
	s0 =	simm.s32 @!p0 $0x0  }
0x12: {  	s1 =	sld [smem:$0x3F9C];
	s0 =	simm.s32 @p0 $0x1  }
0x13: {  	[smem:$0x3FB7] =	sst s0;
	s0 =	simm.s32 @!p1 $0x0  }
0x14: {  	s2 =	sld [smem:$0x3F9B];
	s0 =	simm.s32 @p1 $0x1  }
0x15: {  	[smem:$0x3FB8] =	sst s0;
	s0 =	simm.s32 @!p2 $0x0  }
0x16: {  	s3 =	sld [smem:$0x3FDB];
	s0 =	simm.s32 @p2 $0x1  }
0x17: {  	s4 =	simm.s32 $0x1BF5;
	[smem:$0x3FBA] =	sst s0  }
0x18: {  	s0 =	sld [smem:$0x3F9D];
	_ =	swait.ge [sflag:s4], $0x0  }
0x19: {  	s7 =	sld [smem:$0x3F9E]  }
0x1a: {  	s8 =	sadd.s32 $0xFFFFE003, lr  }
0x1b: {  	s9 =	sadd.s32 $0xFFFFFEF7, lr;
	s5 =	simm.s32 $0xFFFFFFFF;
	p2 =	slt.u32 s8, $0xFFFFF086  }
0x1c: {  	p1 =	slt.u32 s9, $0xF7A;
	s5 =	simm.s32 @!p2 $0x0  }
0x1d: {  	s5 =	simm.s32 @p1 $0x1;
	p0 =	seq.s32 s7, s2  }
0x1e: {  	s7 =	smul.u32 @!p0 $0xF7A, s2;
	p2 =	seq.s32 @!p0 s5, $0x0  }
0x1f: {  	s9 =	smul.u32 $0xF7A, s1;
	s8 =	simm.s32 @!p0 $0x1BF5;
	p2 =	por !p2, p0  }
0x20: {  	[sflag:s8] =	ssyncset.s32 @!p0 $0xFFFFF086;
	s6 =	sadd.s32 @!p0 s3, s7;
	s7 =	simm.s32 @!p0 $0x108  }
0x21: {  	s3 =	sadd.s32 s3, s9;
	s6 =	sadd.s32 @!p0 $0x88, s6;
	s7 =	simm.s32 @p2 $0x1082  }
0x22: {  	[simem:s7], [sflag:s8] =	dma.local @!p0 [hbm:s6], $0xF7A  }
0x23: {  	s9 =	sor.u32 $0xD0000000, s2;
	s6 =	simm.s32 $0x108;
	_ =	swait.ge @!p0 [sflag:s8], $0x0  }
0x24: {  	s3 =	sadd.s32 $0x88, s3;
	s6 =	simm.s32 @!p1 $0x1082;
	[sflag:s4] =	ssyncset.s32 $0xFFFFF086  }
0x25: {  	[simem:s6], [sflag:s4] =	dma.local [hbm:s3], $0xF7A  }
0x26: {  	[smem:$0x3F9E] =	sst s1;
	(tag) =	ssettag s2;
	_ =	strace s9  }
0x27: {  	s1 =	sld [smem:$0x3FAE]  }
0x28: {  	s2 =	sld [smem:$0x3FAF]  }
0x29: {  	s4 =	sld [smem:$0x3FB1]  }
0x2a: {  	p0 =	seq.s32 s5, $0x0;
	s5 =	sld [smem:$0x3FB2]  }
0x2b: {  	s6 =	sld [smem:$0x3FB3]  }
0x2c: {  	s7 =	sld [smem:$0x3FB4]  }
0x2d: {  	s3 =	simm.s32 $0x108;
	s8 =	sld [smem:$0x3FB5]  }
0x2e: {  	s3 =	simm.s32 @!p0 $0x1082;
	s9 =	sld [smem:$0x3FB6]  }
0x2f: {  	lr =	sadd.s32 s0, s3;
	s0 =	sld [smem:$0x3FAD]  }
0x30: {  	s3 =	sld [smem:$0x3FB0]  }
0x31: {  	[smem:$0x3FB9] =	sst s10  }
0x32: {  	s10 =	sld [smem:$0x3FB7];
	_ =	sdelay $0x3  }
0x33: {  	p0 =	seq.s32 s10, $0x1;
	s10 =	sld [smem:$0x3FB9];
	_ =	sdelay $0x3  }
0x34: {  	[smem:$0x3FB9] =	sst s10  }
0x35: {  	s10 =	sld [smem:$0x3FB8];
	_ =	sdelay $0x3  }
0x36: {  	p1 =	seq.s32 s10, $0x1;
	s10 =	sld [smem:$0x3FB9];
	_ =	sdelay $0x3  }
0x37: {  	[smem:$0x3FB9] =	sst s10  }
0x38: {  	s10 =	sld [smem:$0x3FBA]  }
0x39: {  	_ = 	snop;
	(pc) =	sbr.ind lr, $3  }
0x3a: {  	_ = 	snop  }
0x3b: {  	_ = 	snop  }
0x3c: {  	p2 =	seq.s32 s10, $0x1;
	s10 =	sld [smem:$0x3FB9]  }
0x3d: {  	_ =	shalt  }
0x3e: {  	_ =	shalt  }
0x3f: {  	_ =	shalt  }
0x40: {  	_ =	shalt  }
0x41: {  	_ =	shalt  }
0x42: {  	_ =	shalt  }
0x43: {  	_ =	shalt  }
0x44: {  	_ =	shalt  }
0x45: {  	_ =	shalt  }
0x46: {  	_ =	shalt  }
0x47: {  	_ =	shalt  }
0x48: {  	_ =	shalt  }
0x49: {  	_ =	shalt  }
0x4a: {  	_ =	shalt  }
0x4b: {  	_ =	shalt  }
0x4c: {  	_ =	shalt  }
0x4d: {  	_ =	shalt  }
0x4e: {  	_ =	shalt  }
0x4f: {  	_ =	shalt  }
0x50: {  	_ =	shalt  }
0x51: {  	_ =	shalt  }
0x52: {  	_ =	shalt  }
0x53: {  	_ =	shalt  }
0x54: {  	_ =	shalt  }
0x55: {  	_ =	shalt  }
0x56: {  	_ =	shalt  }
0x57: {  	_ =	shalt  }
0x58: {  	_ =	shalt  }
0x59: {  	_ =	shalt  }
0x5a: {  	_ =	shalt  }
0x5b: {  	_ =	shalt  }
0x5c: {  	_ =	shalt  }
0x5d: {  	_ =	shalt  }
0x5e: {  	_ =	shalt  }
0x5f: {  	_ =	shalt  }
0x60: {  	_ =	shalt  }
0x61: {  	_ =	shalt  }
0x62: {  	_ =	shalt  }
0x63: {  	_ =	shalt  }
0x64: {  	_ =	shalt  }
0x65: {  	_ =	shalt  }
0x66: {  	_ =	shalt  }
0x67: {  	_ =	shalt  }
0x68: {  	_ =	shalt  }
0x69: {  	_ =	shalt  }
0x6a: {  	_ =	shalt  }
0x6b: {  	_ =	shalt  }
0x6c: {  	_ =	shalt  }
0x6d: {  	_ =	shalt  }
0x6e: {  	_ =	shalt  }
0x6f: {  	_ =	shalt  }
0x70: {  	_ =	shalt  }
0x71: {  	_ =	shalt  }
0x72: {  	_ =	shalt  }
0x73: {  	_ =	shalt  }
0x74: {  	_ =	shalt  }
0x75: {  	_ =	shalt  }
0x76: {  	_ =	shalt  }
0x77: {  	_ =	shalt  }
0x78: {  	_ =	shalt  }
0x79: {  	_ =	shalt  }
0x7a: {  	_ =	shalt  }
0x7b: {  	_ =	shalt  }
0x7c: {  	_ =	shalt  }
0x7d: {  	_ =	shalt  }
0x7e: {  	_ =	shalt  }
0x7f: {  	_ =	shalt  }
0x80: {  	_ =	shalt  }
0x81: {  	_ =	shalt  }
0x82: {  	_ =	shalt  }
0x83: {  	_ =	shalt  }
0x84: {  	_ =	shalt  }
0x85: {  	_ =	shalt  }
0x86: {  	_ =	shalt  }
0x87: {  	_ =	shalt  }
.Lfunc_end0:
.L_simem_size_0:
called_computation_lowered:
.L_overlay_start_0:
0x88: {  	s2 =	sld [smem:$0x3FD9]  }
0x89: {  	s3 =	sld [smem:$0x3FFE];
	_ =	sdelay $0x1  }
0x8a: {  	s1 =	srdreg.scid  }
0x8b: {  	s0 =	sand.u32 $0x1, s1  }
0x8c: {  	s17 =	sshll.u32 s0, $0xA;
	s2 =	sadd.s32 s3, s2  }
0x8d: {  	s2 =	sadd.s32 s2, s17  }
0x8e: {  	[smem:$0x3FC5] =	sst s2  }
0x8f: {  	_ = 	snop  }
0x90: {  	s2 =	sld [smem:$0x3FC9]  }
0x91: {  	s18 =	sld [smem:$0x3FD0];
	(tm) =	ssettm $0x1  }
0x92: {  	s4 =	sld [smem:$0x3FFB];
	_ =	sdelay $0x3  }
0x93: {  	_ =	strace s4  }
0x94: {  	s4 =	sld [smem:$0x3FFC];
	_ =	sdelay $0x3  }
0x95: {  	_ =	strace s4  }
0x96: {  	s4 =	sld [smem:$0x3FFD];
	_ =	sdelay $0x3  }
0x97: {  	_ =	strace s4  }
0x98: {  	_ =	strace $0x8FFFFFFF  }
0x99: {  	s19 =	sld [smem:$0x3FDB];
	_ =	sdelay $0x1  }
0x9a: {  	s5 =	simm.s32 $_scs_section_size  }
0x9b: {  	s6 =	simm.s32 $_size__tile_overlayer_lowered;
	s7 =	simm.s32 $_tile_overlayer_lowered  }
0x9c: {  	s22 =	simm.s32 $0x1BFF;
	s21 =	sshll.u32 s7, $0x1;
	s4 =	sadd.s32 s5, s19  }
0x9d: {  	s8 =	simm.s32 $0x0;
	s20 =	sshll.u32 s6, $0x1;
	s6 =	sadd.s32 s21, s4  }
0x9e: {  	[timem:s8], [sflag:s22] =	dma.local [hbm:s6], s20  }
0x9f: {  	_ =	swait.ge [sflag:s22], s20  }
0xa0: {  	s5 =	ssub.s32 $0x0, s20;
	[sflag:s22] =	ssyncset.done $0x0  }
0xa1: {  	[sflag:s22] =	ssyncadd.s32 s5;
	_ =	sdelay $0x1  }
0xa2: {  	s23 =	simm.s32 $0x1B8B  }
0xa3: {  	_ =	swait.ge [sflag:s23], $0x1  }
0xa4: {  	[sflag:s23] =	ssyncset.done $0x0  }
0xa5: {  	s25 =	simm.s32 $0x1B8E;
	s24 =	sld [smem:$0x3FFE];
	[sflag:s23] =	ssyncadd.s32 $0xFFFFFFFF  }
0xa6: {  	s26 =	simm.s32 $execute0_lowered;
	[smem:$0x3FD2] =	sst s25  }
0xa7: {  	s6 =	sshll.u32 s26, $0x1;
	_ =	strace $0x80000046;
	[dreg:$0x1] =	wrdreg $0xFFFFFFFF  }
0xa8: {  	s28 =	simm.s32 $_size_execute0_lowered;
	s4 =	sadd.s32 s4, s6;
	[dreg:$0x0] =	wrdreg $0x0  }
0xa9: {  	s6 =	sshll.u32 s28, $0x1;
	[dreg:$0x2] =	wrdreg s4  }
0xaa: {  	[dreg:$0x3] =	wrdreg s6  }
0xab: {  	[dreg:$0x4] =	wrdreg $0xC0  }
0xac: {  	_ =	task [dreg:s8], $0x5FFFF  }
0xad: {  	[dreg:$0x1] =	wrdreg $0xFFFFFFFF  }
0xae: {  	[dreg:$0x0] =	wrdreg $0x60  }
0xaf: {  	[dreg:$0x2] =	wrdreg s2  }
0xb0: {  	[dreg:$0x3] =	wrdreg s24  }
0xb1: {  	[dreg:$0x4] =	wrdreg s18  }
0xb2: {  	[dreg:$0x5] =	wrdreg $0x9  }
0xb3: {  	_ =	task.clear_ibuf [dreg:s8], $0x6FFFF;
	_ =	strace $0x90000046  }
0xb4: {  	s29 =	simm.s32 $0x9;
	_ =	strace $0x80000048  }
0xb5: {  	_ =	swait.ge [sflag:s29], $0x1  }
0xb6: {  	[sflag:s29] =	ssyncadd.s32 $0xFFFFFFFF  }
0xb7: {  	_ =	strace $0x90000048  }
0xb8: {  	_ =	sfence  }
0xb9: {  	s30 =	sld [smem:$0x0];
	_ =	sdelay $0x2  }
0xba: {  	s31 =	sshll.u32 s1, $0xD;
	s1 =	sshrl.u32 s1, $0x2  }
0xbb: {  	s3 =	sand.u32 $0x4000, s31;
	s1 =	sadd.s32 s1, s30  }
0xbc: {  	s0 =	sor.u32 s3, s0;
	s1 =	sshll.u32 s1, $0x11  }
0xbd: {  	s0 =	sor.u32 s1, s0  }
0xbe: {  	s0 =	sadd.s32 $0x8F2B, s0  }
0xbf: {  	[sflag:s0] =	ssyncadd.remote.s32 $0x1  }
0xc0: {  	_ =	sfence.sel $0xFFFF  }
0xc1: {  	[dreg:$0x0] =	wrdreg $0xFFFFFFFF;
	(pc) =	sbr.abs _section_cstart, $3  }
0xc2: {  	[dreg:$0x1] =	wrdreg $0xFFFFFFFF  }
0xc3: {  	_ =	task.clear_ibuf [dreg:s8], $0x2FFFF;
	_ =	strace $0x9FFFFFFF  }
0xc4: {  	(tm) =	ssettm $0x7FFFFFFF  }
0xc5: {  	_ =	shalt  }
tec
execute0_lowered:
.L_overlay_start_1:
0x0: {  	(tag) =	ssettag $0x1  }
0x1: {  	s0 =	rddreg [dreg:$0x0]  }
0x2: {  	s1 =	rddreg [dreg:$0x1]  }
0x3: {  	s8 =	rddreg [dreg:$0x2];
	s3 =	simm.s32 $0x0  }
0x4: {  	s2 =	srdreg.scid;
	s4 =	stileid.u32;
	s20 =	simm.s32 $0x8400  }
0x5: {  	s28 =	simm.s32 $0x12C00;
	s29 =	simm.s32 $0x13400;
	s30 =	simm.s32 $0x13C00  }
0x6: {  	s31 =	simm.s32 $0x1;
	s16 =	simm.s32 $0x9;
	[smem:$0x7FF] =	sst s3  }
0x7: {  	s2 =	sand.u32 $0x1, s2;
	s6 =	sshll.u32 s4, $0x1;
	s4 =	sadd.s32 $0x1000, s1  }
0x8: {  	s11 =	sadd.s32 $0x1100, s1;
	s23 =	sadd.s32 $0x800, s8;
	_ =	strace $0x80000047  }
0x9: {  	s5 =	ssub.s32 $0x2, s2;
	s2 =	sor.u32 s2, s6;
	[dreg:$0x8] =	wrdreg s23  }
0xa: {  	s7 =	sshrl.u32 s5, $0x1;
	s6 =	sshll.u32 s2, $0x7;
	s10 =	sshll.u32 s2, $0x11  }
0xb: {  	s9 =	smul.u32 $0xB, s2;
	s2 =	simm.s32 $0x2;
	s5 =	ssub.s32 s5, s7  }
0xc: {  	s6 =	sadd.s32 s1, s6;
	s7 =	sadd.s32 s0, s10;
	s12 =	smov.u32 s10  }
0xd: {  	s13 =	sadd.s32 s8, s10;
	[dreg:$0x4] =	wrdreg s6;
	s0 =	sadd.s32 $0x800, s7  }
0xe: {  	s8 =	simm.s32 $0x3;
	s21 =	sadd.s32 $0x1000, s7;
	[dreg:$0x5] =	wrdreg s0  }
.Ltmp0:
0xf: {  	s22 =	sadd.s32 $0x1800, s7;
	[dreg:$0x6] =	wrdreg s21;
	(pc) =	sbr.rel .LBB2_1-.Ltmp0, $4  }
0x10: {  	s10 =	simm.s32 $0x0;
	s24 =	sadd.s32 $0x3000, s7;
	[dreg:$0x7] =	wrdreg s22  }
0x11: {  	v3 =	vlaneseq.u32;
	s25 =	sadd.s32 $0x1F800, s13;
	s26 =	smax.u32 s5, $0x1;
	[dreg:$0x9] =	wrdreg s24  }
0x12: {  	vm0 =	vmmov $0xffff;
	v2 =	vshrl.u32 v3, $0x3;
	s6 =	simm.s32 $0x6;
	v0 =	vmov s9;
	s9 =	simm.s32 $0x4;
	[dreg:$0xa] =	wrdreg s25  }
0x13: {  	v1 =	vand.u32 $0x7, v3;
	v3 =	vor.u32 $0x8, v3;
	v2 =	vmul.u32 $0x8, v2;
	[dreg:$0xb] =	wrdreg s26;
	s26 =	simm.s32 $0x12400;
	s0 =	simm.s32 $0x5  }
.LBB2_22:
0x14: {  	s1 =	rddreg [dreg:$0xa];
	s5 =	simm.s32 $0xC400;
	s22 =	simm.s32 $0x7  }
0x15: {  	[hbm4b:s1+s3] =	stream.linear.scatter [tilespmem:s5], [sflag:$0xA], $0x4000, $0x38;
	[tilespmem:$0x14400] =	vst v63  }
0x16: {  	_ =	swait.ge [sflag:s22], $0x4000  }
0x17: {  	[sflag:s22] =	ssyncset.done $0x0  }
0x18: {  	s23 =	simm.s32 $0x8;
	[sflag:s22] =	ssyncadd.s32 $0xFFFFC000  }
0x19: {  	_ =	swait.ge [sflag:s23], $0x4000  }
0x1a: {  	[sflag:s23] =	ssyncset.done $0x0  }
0x1b: {  	[sflag:s23] =	ssyncadd.s32 $0xFFFFC000  }
0x1c: {  	_ =	swait.ge [sflag:s16], $0x4000  }
0x1d: {  	[sflag:s16] =	ssyncset.done $0x0  }
0x1e: {  	s24 =	simm.s32 $0xA;
	[sflag:s16] =	ssyncadd.s32 $0xFFFFC000  }
0x1f: {  	_ =	swait.ge [sflag:s24], $0x4000  }
0x20: {  	s10 =	rddreg [dreg:$0xc]  }
0x21: {  	s25 =	rddreg [dreg:$0xb];
	s10 =	sadd.s32 $0x1, s10  }
0x22: {  	p0 =	sne.s32 s10, s25  }
.Ltmp1:
0x23: {  	_ = 	snop;
	(pc) =	sbr.rel @!p0 .LBB2_23-.Ltmp1, $3  }
0x24: {  	_ =	sdelay $0x1  }
0x25: {  	[sflag:s24] =	ssyncset.done $0x0  }
0x26: {  	[sflag:s24] =	ssyncadd.s32 $0xFFFFC000  }
.LBB2_1:
0x27: {  	[dreg:$0xc] =	wrdreg s10  }
0x28: {  	s1 =	rddreg [dreg:$0x4];
	s25 =	simm.s32 $0xB  }
0x29: {  	[tilespmem:s3], [sflag:$0xB] =	stream.linear.gather [hbm4b:s1+s3], $0x400, $0x38;
	[tilespmem:$0x14400] =	vst v63  }
0x2a: {  	_ =	swait.ge [sflag:s25], $0x400  }
0x2b: {  	[sflag:s25] =	ssyncset.done $0x0  }
0x2c: {  	s1 =	simm.s32 $0x40;
	[sflag:s25] =	ssyncadd.s32 $0xFFFFFC00  }
0x2d: {  	v6 =	vld [tilespmem:s1+$0xFFFFFFC0]  }
0x2e: {  	v7 =	vld [tilespmem:s1+$0xFFFFFFD0]  }
0x2f: {  	v8 =	vld [tilespmem:s1+$0xFFFFFFE0]  }
0x30: {  	v5 =	vld [tilespmem:s1+$0x0]  }
0x31: {  	v4 =	vld [tilespmem:s1+$0x10]  }
0x32: {  	v9 =	vadd.s32 v0, v6;
	v6 =	vld [tilespmem:s1+$0x20]  }
0x33: {  	[tilespmem:s1+$0xFFFFFFC0] =	vst v9;
	v9 =	vadd.s32 v0, v7;
	v7 =	vld [tilespmem:s1+$0x30]  }
0x34: {  	s5 =	simm.s32 $0x0;
	s10 =	simm.s32 $0xC0;
	[tilespmem:s1+$0xFFFFFFD0] =	vst v9;
	v9 =	vadd.s32 v0, v8;
	v8 =	vld [tilespmem:s1+$0xFFFFFFF0]  }
.LBB2_2:
0x35: {  	v10 =	vld [tilespmem:s10+$0xFFFFFFC0];
	[tilespmem:s1+$0xFFFFFFE0] =	vst v9;
	v5 =	vadd.s32 v0, v5  }
0x36: {  	s5 =	sadd.s32 $0x8, s5;
	v9 =	vld [tilespmem:s10+$0xFFFFFFD0];
	[tilespmem:s1+$0x0] =	vst v5;
	v4 =	vadd.s32 v0, v4  }
0x37: {  	p0 =	slt.u32 s5, $0x38;
	v11 =	vld [tilespmem:s10+$0xFFFFFFE0];
	[tilespmem:s1+$0x10] =	vst v4;
	v4 =	vadd.s32 v0, v6  }
.Ltmp2:
0x38: {  	v5 =	vld [tilespmem:s10+$0x0];
	[tilespmem:s1+$0x20] =	vst v4;
	v6 =	vadd.s32 v0, v7;
	(pc) =	sbr.rel @p0 .LBB2_2-.Ltmp2, $4  }
0x39: {  	v4 =	vld [tilespmem:s10+$0x10];
	v7 =	vadd.s32 v0, v8;
	[tilespmem:s1+$0x30] =	vst v6  }
0x3a: {  	v8 =	vadd.s32 v0, v10;
	v6 =	vld [tilespmem:s10+$0x20];
	[tilespmem:s1+$0xFFFFFFF0] =	vst v7;
	s1 =	smov.u32 s10  }
0x3b: {  	[tilespmem:s10+$0xFFFFFFC0] =	vst v8;
	v8 =	vadd.s32 v0, v9;
	v7 =	vld [tilespmem:s10+$0x30]  }
0x3c: {  	s10 =	sadd.s32 $0x80, s10;
	[tilespmem:s1+$0xFFFFFFD0] =	vst v8;
	v9 =	vadd.s32 v0, v11;
	v8 =	vld [tilespmem:s1+$0xFFFFFFF0]  }
0x3d: {  	[tilespmem:s1+$0xFFFFFFE0] =	vst v9;
	v5 =	vadd.s32 v0, v5  }
0x3e: {  	[tilespmem:s1+$0x0] =	vst v5;
	v4 =	vadd.s32 v0, v4  }
0x3f: {  	[tilespmem:s1+$0x10] =	vst v4;
	v4 =	vadd.s32 v0, v6  }
0x40: {  	[tilespmem:s1+$0x20] =	vst v4;
	v4 =	vadd.s32 v0, v7  }
0x41: {  	v5 =	vadd.s32 v0, v8;
	[tilespmem:s1+$0x30] =	vst v4  }
0x42: {  	s15 =	simm.s32 $0x0;
	s14 =	simm.s32 $0x400;
	[tilespmem:s1+$0xFFFFFFF0] =	vst v5  }
0x43: {  	[tilespmem:s14], [sflag:$0x1] =	stream.linear.gather [hbm4b:s7+s15], $0x4000, $0x38;
	[tilespmem:$0x14400] =	vst v63  }
0x44: {  	s17 =	rddreg [dreg:$0x5];
	s5 =	simm.s32 $0x4400  }
0x45: {  	[tilespmem:s5], [sflag:$0x2] =	stream.linear.gather [hbm4b:s17+s15], $0x4000, $0x38;
	[tilespmem:$0x14400] =	vst v63  }
0x46: {  	s18 =	rddreg [dreg:$0x6]  }
0x47: {  	[tilespmem:s20], [sflag:$0x3] =	stream.linear.gather [hbm4b:s18+s15], $0x4000, $0x38;
	[tilespmem:$0x14400] =	vst v63  }
0x48: {  	s19 =	rddreg [dreg:$0x7];
	s21 =	simm.s32 $0xC400  }
0x49: {  	[tilespmem:s21], [sflag:$0x4] =	stream.linear.gather [hbm4b:s19+s15], $0x4000, $0x38;
	[tilespmem:$0x14400] =	vst v63  }
0x4a: {  	v4 =	vld [tilespmem:$0x0];
	_ =	sdelay $0x4  }
0x4b: {  	v5 =	vshll.u32 v4, $0x2  }
0x4c: {  	v4 =	vand.u32 $0x7, v4;
	v5 =	vand.u32 $0xFFFFFFE0, v5  }
0x4d: {  	v4 =	vor.u32 v4, v5  }
0x4e: {  	v5 =	vperm.xlane v4, v1;
	_ =	sdelay $0x1  }
0x4f: {  	v5 =	vadd.s32 v2, v5;
	_ =	sdelay $0x1  }
0x50: {  	v4 =	vperm.xlane v4, v3;
	_ =	sdelay $0x1  }
0x51: {  	s22 =	simm.s32 $0x10400;
	v4 =	vadd.s32 v2, v4  }
0x52: {  	[tilespmem:s22], [sflag:$0x5] =	stream.indirect_vreg.gather [hbm4b:s4+s15], $0x80, v5, vm0, $0xb8;
	[tilespmem:$0x14400] =	vst v63  }
0x53: {  	s23 =	simm.s32 $0x10C00  }
0x54: {  	[tilespmem:s23], [sflag:$0x5] =	stream.indirect_vreg.gather [hbm4b:s11+s15], $0x80, v5, vm0, $0xb8;
	[tilespmem:$0x14400] =	vst v63  }
0x55: {  	s24 =	simm.s32 $0x11400  }
0x56: {  	[tilespmem:s24], [sflag:$0x5] =	stream.indirect_vreg.gather [hbm4b:s4+s15], $0x80, v4, vm0, $0xb8;
	[tilespmem:$0x14400] =	vst v63  }
0x57: {  	s25 =	simm.s32 $0x11C00  }
0x58: {  	[tilespmem:s25], [sflag:$0x5] =	stream.indirect_vreg.gather [hbm4b:s11+s15], $0x80, v4, vm0, $0xb8;
	[tilespmem:$0x14400] =	vst v63  }
0x59: {  	v4 =	vld [tilespmem:$0x10];
	_ =	sdelay $0x4  }
0x5a: {  	v5 =	vshll.u32 v4, $0x2  }
0x5b: {  	v4 =	vand.u32 $0x7, v4;
	v5 =	vand.u32 $0xFFFFFFE0, v5  }
0x5c: {  	v4 =	vor.u32 v4, v5  }
0x5d: {  	v5 =	vperm.xlane v4, v1;
	_ =	sdelay $0x1  }
0x5e: {  	v5 =	vadd.s32 v2, v5;
	_ =	sdelay $0x1  }
0x5f: {  	v4 =	vperm.xlane v4, v3;
	_ =	sdelay $0x1  }
0x60: {  	v4 =	vadd.s32 v2, v4  }
0x61: {  	[tilespmem:s26], [sflag:$0x6] =	stream.indirect_vreg.gather [hbm4b:s4+s15], $0x80, v5, vm0, $0xb8;
	[tilespmem:$0x14400] =	vst v63  }
0x62: {  	_ = 	snop  }
0x63: {  	[tilespmem:s28], [sflag:$0x6] =	stream.indirect_vreg.gather [hbm4b:s11+s15], $0x80, v5, vm0, $0xb8;
	[tilespmem:$0x14400] =	vst v63  }
0x64: {  	_ = 	snop  }
0x65: {  	[tilespmem:s29], [sflag:$0x6] =	stream.indirect_vreg.gather [hbm4b:s4+s15], $0x80, v4, vm0, $0xb8;
	[tilespmem:$0x14400] =	vst v63  }
0x66: {  	_ = 	snop  }
0x67: {  	[tilespmem:s30], [sflag:$0x6] =	stream.indirect_vreg.gather [hbm4b:s11+s15], $0x80, v4, vm0, $0xb8;
	[tilespmem:$0x14400] =	vst v63  }
.LBB2_4:
0x68: {  	_ =	swait.ge [sflag:s31], $0x4000  }
0x69: {  	[sflag:s31] =	ssyncset.done $0x0  }
0x6a: {  	[sflag:s31] =	ssyncadd.s32 $0xFFFFC000  }
0x6b: {  	_ =	swait.ge [sflag:s0], $0x2000  }
0x6c: {  	[sflag:s0] =	ssyncset.done $0x0  }
0x6d: {  	s1 =	simm.s32 $0x0;
	s10 =	simm.s32 $0x0;
	[sflag:s0] =	ssyncadd.s32 $0xFFFFE000  }
.LBB2_5:
0x6e: {  	s5 =	sand.u32 $0x7, s1  }
0x6f: {  	s5 =	sshll.u32 s5, $0x9  }
0x70: {  	s17 =	sshrl.u32 s5, $0x2  }
0x71: {  	v4 =	vmov s17;
	_ =	sdelay $0x1  }
0x72: {  	s24 =	sshll.u32 s10, $0x9  }
0x73: {  	s5 =	sand.u32 $0x3FFFF000, s24  }
0x74: {  	s18 =	sadd.s32 $0x10440, s5  }
0x75: {  	v5 =	vld.idx.msk [tilespmem:v4+s18+$0xFFFFFFC0 ss:$0x1], $0xffff;
	_ =	sdelay $0x1  }
0x76: {  	s25 =	sshll.u32 s10, $0xA  }
0x77: {  	s5 =	sand.u32 $0x3FFFE000, s25  }
0x78: {  	s19 =	sor.u32 $0x400, s5  }
0x79: {  	s21 =	sadd.s32 s17, s19;
	v6 =	vshll.u32 v5, $0x10  }
0x7a: {  	v5 =	vand.u32 $0xFFFF0000, v5;
	[tilespmem:s21+$0x0] =	vst.add.f32.msk $0xffff, v6  }
0x7b: {  	[tilespmem:s21+$0x10] =	vst.add.f32.msk $0xffff, v5  }
0x7c: {  	v5 =	vld.idx.msk [tilespmem:v4+s18+$0xFFFFFFD0 ss:$0x1], $0xffff;
	_ =	sdelay $0x4  }
0x7d: {  	v6 =	vshll.u32 v5, $0x10  }
0x7e: {  	v5 =	vand.u32 $0xFFFF0000, v5;
	[tilespmem:s21+$0x20] =	vst.add.f32.msk $0xffff, v6  }
0x7f: {  	[tilespmem:s21+$0x30] =	vst.add.f32.msk $0xffff, v5  }
0x80: {  	v5 =	vld.idx.msk [tilespmem:v4+s18+$0xFFFFFFE0 ss:$0x1], $0xffff;
	_ =	sdelay $0x4  }
0x81: {  	v6 =	vshll.u32 v5, $0x10  }
0x82: {  	v5 =	vand.u32 $0xFFFF0000, v5;
	[tilespmem:s21+$0x40] =	vst.add.f32.msk $0xffff, v6  }
0x83: {  	[tilespmem:s21+$0x50] =	vst.add.f32.msk $0xffff, v5  }
0x84: {  	v5 =	vld.idx.msk [tilespmem:v4+s18+$0xFFFFFFF0 ss:$0x1], $0xffff;
	_ =	sdelay $0x4  }
0x85: {  	v6 =	vshll.u32 v5, $0x10  }
0x86: {  	v5 =	vand.u32 $0xFFFF0000, v5;
	[tilespmem:s21+$0x60] =	vst.add.f32.msk $0xffff, v6  }
0x87: {  	[tilespmem:s21+$0x70] =	vst.add.f32.msk $0xffff, v5  }
0x88: {  	v5 =	vld.idx.msk [tilespmem:v4+s18+$0x0 ss:$0x1], $0xffff;
	_ =	sdelay $0x4  }
0x89: {  	v6 =	vshll.u32 v5, $0x10  }
0x8a: {  	v5 =	vand.u32 $0xFFFF0000, v5;
	[tilespmem:s21+$0x400] =	vst.add.f32.msk $0xffff, v6  }
0x8b: {  	[tilespmem:s21+$0x410] =	vst.add.f32.msk $0xffff, v5  }
0x8c: {  	v5 =	vld.idx.msk [tilespmem:v4+s18+$0x10 ss:$0x1], $0xffff;
	_ =	sdelay $0x4  }
0x8d: {  	v6 =	vshll.u32 v5, $0x10  }
0x8e: {  	v5 =	vand.u32 $0xFFFF0000, v5;
	[tilespmem:s21+$0x420] =	vst.add.f32.msk $0xffff, v6  }
0x8f: {  	[tilespmem:s21+$0x430] =	vst.add.f32.msk $0xffff, v5  }
0x90: {  	v5 =	vld.idx.msk [tilespmem:v4+s18+$0x20 ss:$0x1], $0xffff;
	_ =	sdelay $0x4  }
0x91: {  	v6 =	vshll.u32 v5, $0x10  }
0x92: {  	v5 =	vand.u32 $0xFFFF0000, v5;
	[tilespmem:s21+$0x440] =	vst.add.f32.msk $0xffff, v6  }
0x93: {  	s14 =	simm.s32 $0x0;
	[tilespmem:s21+$0x450] =	vst.add.f32.msk $0xffff, v5  }
.LBB2_6:
0x94: {  	s14 =	sadd.s32 $0x8, s14;
	v5 =	vld.idx.msk [tilespmem:v4+s18+$0x30 ss:$0x1], $0xffff;
	s19 =	sadd.s32 $0x800, s19;
	s18 =	sadd.s32 $0x400, s18  }
0x95: {  	p0 =	slt.u32 s14, $0x18;
	_ =	sdelay $0x4  }
0x96: {  	v6 =	vshll.u32 v5, $0x10;
	v5 =	vand.u32 $0xFFFF0000, v5  }
0x97: {  	[tilespmem:s21+$0x460] =	vst.add.f32.msk $0xffff, v6  }
0x98: {  	[tilespmem:s21+$0x470] =	vst.add.f32.msk $0xffff, v5  }
0x99: {  	v5 =	vld.idx.msk [tilespmem:v4+s18+$0xFFFFFFC0 ss:$0x1], $0xffff;
	_ =	sdelay $0x5  }
0x9a: {  	s21 =	sadd.s32 s17, s19;
	v6 =	vshll.u32 v5, $0x10;
	v5 =	vand.u32 $0xFFFF0000, v5  }
0x9b: {  	[tilespmem:s21+$0x0] =	vst.add.f32.msk $0xffff, v6  }
0x9c: {  	[tilespmem:s21+$0x10] =	vst.add.f32.msk $0xffff, v5  }
0x9d: {  	v5 =	vld.idx.msk [tilespmem:v4+s18+$0xFFFFFFD0 ss:$0x1], $0xffff;
	_ =	sdelay $0x5  }
0x9e: {  	v6 =	vshll.u32 v5, $0x10;
	v5 =	vand.u32 $0xFFFF0000, v5  }
0x9f: {  	[tilespmem:s21+$0x20] =	vst.add.f32.msk $0xffff, v6  }
0xa0: {  	[tilespmem:s21+$0x30] =	vst.add.f32.msk $0xffff, v5  }
0xa1: {  	v5 =	vld.idx.msk [tilespmem:v4+s18+$0xFFFFFFE0 ss:$0x1], $0xffff;
	_ =	sdelay $0x5  }
0xa2: {  	v6 =	vshll.u32 v5, $0x10;
	v5 =	vand.u32 $0xFFFF0000, v5  }
0xa3: {  	[tilespmem:s21+$0x40] =	vst.add.f32.msk $0xffff, v6  }
0xa4: {  	[tilespmem:s21+$0x50] =	vst.add.f32.msk $0xffff, v5  }
0xa5: {  	v5 =	vld.idx.msk [tilespmem:v4+s18+$0xFFFFFFF0 ss:$0x1], $0xffff;
	_ =	sdelay $0x5  }
0xa6: {  	v6 =	vshll.u32 v5, $0x10;
	v5 =	vand.u32 $0xFFFF0000, v5  }
0xa7: {  	[tilespmem:s21+$0x60] =	vst.add.f32.msk $0xffff, v6  }
0xa8: {  	[tilespmem:s21+$0x70] =	vst.add.f32.msk $0xffff, v5  }
0xa9: {  	v5 =	vld.idx.msk [tilespmem:v4+s18+$0x0 ss:$0x1], $0xffff;
	_ =	sdelay $0x5  }
0xaa: {  	v6 =	vshll.u32 v5, $0x10;
	v5 =	vand.u32 $0xFFFF0000, v5  }
0xab: {  	[tilespmem:s21+$0x400] =	vst.add.f32.msk $0xffff, v6  }
0xac: {  	[tilespmem:s21+$0x410] =	vst.add.f32.msk $0xffff, v5  }
0xad: {  	v5 =	vld.idx.msk [tilespmem:v4+s18+$0x10 ss:$0x1], $0xffff;
	_ =	sdelay $0x5  }
0xae: {  	v6 =	vshll.u32 v5, $0x10;
	v5 =	vand.u32 $0xFFFF0000, v5  }
0xaf: {  	[tilespmem:s21+$0x420] =	vst.add.f32.msk $0xffff, v6  }
0xb0: {  	[tilespmem:s21+$0x430] =	vst.add.f32.msk $0xffff, v5  }
0xb1: {  	v5 =	vld.idx.msk [tilespmem:v4+s18+$0x20 ss:$0x1], $0xffff;
	_ =	sdelay $0x3  }
.Ltmp3:
0xb2: {  	(pc) =	sbr.rel @p0 .LBB2_6-.Ltmp3, $4  }
0xb3: {  	_ = 	snop  }
0xb4: {  	v6 =	vshll.u32 v5, $0x10;
	v5 =	vand.u32 $0xFFFF0000, v5  }
0xb5: {  	[tilespmem:s21+$0x440] =	vst.add.f32.msk $0xffff, v6  }
0xb6: {  	[tilespmem:s21+$0x450] =	vst.add.f32.msk $0xffff, v5  }
0xb7: {  	_ =	sdelay $0x3  }
0xb8: {  	v4 =	vld.idx.msk [tilespmem:v4+s18+$0x30 ss:$0x1], $0xffff  }
0xb9: {  	s10 =	sadd.s32 $0x1, s10  }
0xba: {  	p0 =	sne.s32 s10, $0x10  }
.Ltmp4:
0xbb: {  	_ = 	snop;
	(pc) =	sbr.rel @p0 .LBB2_5-.Ltmp4, $4  }
0xbc: {  	_ = 	snop  }
0xbd: {  	v5 =	vshll.u32 v4, $0x10  }
0xbe: {  	v4 =	vand.u32 $0xFFFF0000, v4;
	[tilespmem:s21+$0x460] =	vst.add.f32.msk $0xffff, v5  }
0xbf: {  	s1 =	sadd.s32 $0x1, s1;
	[tilespmem:s21+$0x470] =	vst.add.f32.msk $0xffff, v4  }
0xc0: {  	s1 =	sshll.u32 s15, $0x2  }
0xc1: {  	s18 =	sor.u32 $0x2, s1  }
0xc2: {  	s5 =	sshll.u32 s18, $0x4  }
0xc3: {  	s5 =	sand.u32 $0x3FFFFFE0, s5  }
0xc4: {  	v4 =	vld [tilespmem:s5+$0x0];
	_ =	sdelay $0x4  }
0xc5: {  	v5 =	vshll.u32 v4, $0x2  }
0xc6: {  	v4 =	vand.u32 $0x7, v4;
	v5 =	vand.u32 $0xFFFFFFE0, v5  }
0xc7: {  	v4 =	vor.u32 v4, v5  }
0xc8: {  	v5 =	vperm.xlane v4, v1;
	_ =	sdelay $0x1  }
0xc9: {  	v5 =	vadd.s32 v2, v5;
	_ =	sdelay $0x1  }
0xca: {  	v4 =	vperm.xlane v4, v3;
	_ =	sdelay $0x1  }
0xcb: {  	s21 =	simm.s32 $0x10400;
	v4 =	vadd.s32 v2, v4  }
0xcc: {  	[tilespmem:s21], [sflag:$0x5] =	stream.indirect_vreg.gather [hbm4b:s4+s3], $0x80, v5, vm0, $0xb8;
	[tilespmem:$0x14400] =	vst v63  }
0xcd: {  	s22 =	simm.s32 $0x10C00  }
0xce: {  	[tilespmem:s22], [sflag:$0x5] =	stream.indirect_vreg.gather [hbm4b:s11+s3], $0x80, v5, vm0, $0xb8;
	[tilespmem:$0x14400] =	vst v63  }
0xcf: {  	s23 =	simm.s32 $0x11400;
	s17 =	sshll.u32 s15, $0xD  }
0xd0: {  	[tilespmem:s23], [sflag:$0x5] =	stream.indirect_vreg.gather [hbm4b:s4+s3], $0x80, v4, vm0, $0xb8;
	[tilespmem:$0x14400] =	vst v63  }
0xd1: {  	s24 =	simm.s32 $0x11C00;
	s25 =	rddreg [dreg:$0x2];
	s19 =	sor.u32 s12, s17  }
0xd2: {  	[tilespmem:s24], [sflag:$0x5] =	stream.indirect_vreg.gather [hbm4b:s11+s3], $0x80, v4, vm0, $0xb8;
	[tilespmem:$0x14400] =	vst v63  }
0xd3: {  	s10 =	simm.s32 $0x400;
	p0 =	seq.s32 s15, $0x0;
	s5 =	sadd.s32 s25, s19  }
0xd4: {  	[hbm4b:s5+s3] =	stream.linear.scatter [tilespmem:s10], [sflag:$0x7], $0x4000, $0x38;
	[tilespmem:$0x14400] =	vst v63  }
0xd5: {  	s5 =	simm.s32 @!p0 $0xA  }
0xd6: {  	_ =	swait.ge @!p0 [sflag:s5], $0x4000  }
0xd7: {  	s10 =	sshllo.u32 s15, $0x2;
	[sflag:s5] =	ssyncset.done @!p0 $0x0  }
0xd8: {  	[sflag:s5] =	ssyncadd.s32 @!p0 $0xFFFFC000;
	s5 =	sshll.u32 @!p0 s10, $0xB  }
0xd9: {  	s14 =	simm.s32 @!p0 $0x0;
	s21 =	simm.s32 @!p0 $0xC400;
	s5 =	sadd.s32 @!p0 s5, s7  }
0xda: {  	[tilespmem:s21], [sflag:$0x4] =	stream.linear.gather @!p0 [hbm4b:s5+s14], $0x4000, $0x38;
	[tilespmem:$0x14400] =	vst v63  }
0xdb: {  	_ =	swait.ge [sflag:s2], $0x4000  }
0xdc: {  	[sflag:s2] =	ssyncset.done $0x0  }
0xdd: {  	[sflag:s2] =	ssyncadd.s32 $0xFFFFC000  }
0xde: {  	_ =	swait.ge [sflag:s6], $0x2000  }
0xdf: {  	[sflag:s6] =	ssyncset.done $0x0  }
0xe0: {  	s22 =	simm.s32 $0x0;
	s21 =	simm.s32 $0x0;
	[sflag:s6] =	ssyncadd.s32 $0xFFFFE000  }
.LBB2_9:
0xe1: {  	s5 =	sand.u32 $0x7, s21  }
0xe2: {  	s5 =	sshll.u32 s5, $0x9  }
0xe3: {  	s23 =	sshrl.u32 s5, $0x2  }
0xe4: {  	v4 =	vmov s23;
	_ =	sdelay $0x1  }
0xe5: {  	s24 =	sshll.u32 s22, $0x9  }
0xe6: {  	s5 =	sand.u32 $0x3FFFF000, s24  }
0xe7: {  	s24 =	sadd.s32 $0x12440, s5  }
0xe8: {  	v5 =	vld.idx.msk [tilespmem:v4+s24+$0xFFFFFFC0 ss:$0x1], $0xffff;
	_ =	sdelay $0x1  }
0xe9: {  	s25 =	sshll.u32 s22, $0xA  }
0xea: {  	s5 =	sand.u32 $0x3FFFE000, s25  }
0xeb: {  	s25 =	sadd.s32 $0x4400, s5  }
0xec: {  	s14 =	sadd.s32 s23, s25;
	v6 =	vshll.u32 v5, $0x10  }
0xed: {  	v5 =	vand.u32 $0xFFFF0000, v5;
	[tilespmem:s14+$0x0] =	vst.add.f32.msk $0xffff, v6  }
0xee: {  	[tilespmem:s14+$0x10] =	vst.add.f32.msk $0xffff, v5  }
0xef: {  	v5 =	vld.idx.msk [tilespmem:v4+s24+$0xFFFFFFD0 ss:$0x1], $0xffff;
	_ =	sdelay $0x4  }
0xf0: {  	v6 =	vshll.u32 v5, $0x10  }
0xf1: {  	v5 =	vand.u32 $0xFFFF0000, v5;
	[tilespmem:s14+$0x20] =	vst.add.f32.msk $0xffff, v6  }
0xf2: {  	[tilespmem:s14+$0x30] =	vst.add.f32.msk $0xffff, v5  }
0xf3: {  	v5 =	vld.idx.msk [tilespmem:v4+s24+$0xFFFFFFE0 ss:$0x1], $0xffff;
	_ =	sdelay $0x4  }
0xf4: {  	v6 =	vshll.u32 v5, $0x10  }
0xf5: {  	v5 =	vand.u32 $0xFFFF0000, v5;
	[tilespmem:s14+$0x40] =	vst.add.f32.msk $0xffff, v6  }
0xf6: {  	[tilespmem:s14+$0x50] =	vst.add.f32.msk $0xffff, v5  }
0xf7: {  	v5 =	vld.idx.msk [tilespmem:v4+s24+$0xFFFFFFF0 ss:$0x1], $0xffff;
	_ =	sdelay $0x4  }
0xf8: {  	v6 =	vshll.u32 v5, $0x10  }
0xf9: {  	v5 =	vand.u32 $0xFFFF0000, v5;
	[tilespmem:s14+$0x60] =	vst.add.f32.msk $0xffff, v6  }
0xfa: {  	[tilespmem:s14+$0x70] =	vst.add.f32.msk $0xffff, v5  }
0xfb: {  	v5 =	vld.idx.msk [tilespmem:v4+s24+$0x0 ss:$0x1], $0xffff;
	_ =	sdelay $0x4  }
0xfc: {  	v6 =	vshll.u32 v5, $0x10  }
0xfd: {  	v5 =	vand.u32 $0xFFFF0000, v5;
	[tilespmem:s14+$0x400] =	vst.add.f32.msk $0xffff, v6  }
0xfe: {  	[tilespmem:s14+$0x410] =	vst.add.f32.msk $0xffff, v5  }
0xff: {  	v5 =	vld.idx.msk [tilespmem:v4+s24+$0x10 ss:$0x1], $0xffff;
	_ =	sdelay $0x4  }
0x100: {  	v6 =	vshll.u32 v5, $0x10  }
0x101: {  	v5 =	vand.u32 $0xFFFF0000, v5;
	[tilespmem:s14+$0x420] =	vst.add.f32.msk $0xffff, v6  }
0x102: {  	[tilespmem:s14+$0x430] =	vst.add.f32.msk $0xffff, v5  }
0x103: {  	v5 =	vld.idx.msk [tilespmem:v4+s24+$0x20 ss:$0x1], $0xffff;
	_ =	sdelay $0x4  }
0x104: {  	v6 =	vshll.u32 v5, $0x10  }
0x105: {  	v5 =	vand.u32 $0xFFFF0000, v5;
	[tilespmem:s14+$0x440] =	vst.add.f32.msk $0xffff, v6  }
0x106: {  	s5 =	simm.s32 $0x0;
	[tilespmem:s14+$0x450] =	vst.add.f32.msk $0xffff, v5  }
.LBB2_10:
0x107: {  	s5 =	sadd.s32 $0x8, s5;
	v5 =	vld.idx.msk [tilespmem:v4+s24+$0x30 ss:$0x1], $0xffff;
	s25 =	sadd.s32 $0x800, s25;
	s24 =	sadd.s32 $0x400, s24  }
0x108: {  	p0 =	slt.u32 s5, $0x18;
	_ =	sdelay $0x4  }
0x109: {  	v6 =	vshll.u32 v5, $0x10;
	v5 =	vand.u32 $0xFFFF0000, v5  }
0x10a: {  	[tilespmem:s14+$0x460] =	vst.add.f32.msk $0xffff, v6  }
0x10b: {  	[tilespmem:s14+$0x470] =	vst.add.f32.msk $0xffff, v5  }
0x10c: {  	v5 =	vld.idx.msk [tilespmem:v4+s24+$0xFFFFFFC0 ss:$0x1], $0xffff;
	_ =	sdelay $0x5  }
0x10d: {  	s14 =	sadd.s32 s23, s25;
	v6 =	vshll.u32 v5, $0x10;
	v5 =	vand.u32 $0xFFFF0000, v5  }
0x10e: {  	[tilespmem:s14+$0x0] =	vst.add.f32.msk $0xffff, v6  }
0x10f: {  	[tilespmem:s14+$0x10] =	vst.add.f32.msk $0xffff, v5  }
0x110: {  	v5 =	vld.idx.msk [tilespmem:v4+s24+$0xFFFFFFD0 ss:$0x1], $0xffff;
	_ =	sdelay $0x5  }
0x111: {  	v6 =	vshll.u32 v5, $0x10;
	v5 =	vand.u32 $0xFFFF0000, v5  }
0x112: {  	[tilespmem:s14+$0x20] =	vst.add.f32.msk $0xffff, v6  }
0x113: {  	[tilespmem:s14+$0x30] =	vst.add.f32.msk $0xffff, v5  }
0x114: {  	v5 =	vld.idx.msk [tilespmem:v4+s24+$0xFFFFFFE0 ss:$0x1], $0xffff;
	_ =	sdelay $0x5  }
0x115: {  	v6 =	vshll.u32 v5, $0x10;
	v5 =	vand.u32 $0xFFFF0000, v5  }
0x116: {  	[tilespmem:s14+$0x40] =	vst.add.f32.msk $0xffff, v6  }
0x117: {  	[tilespmem:s14+$0x50] =	vst.add.f32.msk $0xffff, v5  }
0x118: {  	v5 =	vld.idx.msk [tilespmem:v4+s24+$0xFFFFFFF0 ss:$0x1], $0xffff;
	_ =	sdelay $0x5  }
0x119: {  	v6 =	vshll.u32 v5, $0x10;
	v5 =	vand.u32 $0xFFFF0000, v5  }
0x11a: {  	[tilespmem:s14+$0x60] =	vst.add.f32.msk $0xffff, v6  }
0x11b: {  	[tilespmem:s14+$0x70] =	vst.add.f32.msk $0xffff, v5  }
0x11c: {  	v5 =	vld.idx.msk [tilespmem:v4+s24+$0x0 ss:$0x1], $0xffff;
	_ =	sdelay $0x5  }
0x11d: {  	v6 =	vshll.u32 v5, $0x10;
	v5 =	vand.u32 $0xFFFF0000, v5  }
0x11e: {  	[tilespmem:s14+$0x400] =	vst.add.f32.msk $0xffff, v6  }
0x11f: {  	[tilespmem:s14+$0x410] =	vst.add.f32.msk $0xffff, v5  }
0x120: {  	v5 =	vld.idx.msk [tilespmem:v4+s24+$0x10 ss:$0x1], $0xffff;
	_ =	sdelay $0x5  }
0x121: {  	v6 =	vshll.u32 v5, $0x10;
	v5 =	vand.u32 $0xFFFF0000, v5  }
0x122: {  	[tilespmem:s14+$0x420] =	vst.add.f32.msk $0xffff, v6  }
0x123: {  	[tilespmem:s14+$0x430] =	vst.add.f32.msk $0xffff, v5  }
0x124: {  	v5 =	vld.idx.msk [tilespmem:v4+s24+$0x20 ss:$0x1], $0xffff;
	_ =	sdelay $0x3  }
.Ltmp5:
0x125: {  	(pc) =	sbr.rel @p0 .LBB2_10-.Ltmp5, $4  }
0x126: {  	_ = 	snop  }
0x127: {  	v6 =	vshll.u32 v5, $0x10;
	v5 =	vand.u32 $0xFFFF0000, v5  }
0x128: {  	[tilespmem:s14+$0x440] =	vst.add.f32.msk $0xffff, v6  }
0x129: {  	[tilespmem:s14+$0x450] =	vst.add.f32.msk $0xffff, v5  }
0x12a: {  	_ =	sdelay $0x3  }
0x12b: {  	v4 =	vld.idx.msk [tilespmem:v4+s24+$0x30 ss:$0x1], $0xffff  }
0x12c: {  	s22 =	sadd.s32 $0x1, s22  }
0x12d: {  	p0 =	sne.s32 s22, $0x10  }
.Ltmp6:
0x12e: {  	_ = 	snop;
	(pc) =	sbr.rel @p0 .LBB2_9-.Ltmp6, $4  }
0x12f: {  	_ = 	snop  }
0x130: {  	v5 =	vshll.u32 v4, $0x10  }
0x131: {  	v4 =	vand.u32 $0xFFFF0000, v4;
	[tilespmem:s14+$0x460] =	vst.add.f32.msk $0xffff, v5  }
0x132: {  	s21 =	sadd.s32 $0x1, s21;
	[tilespmem:s14+$0x470] =	vst.add.f32.msk $0xffff, v4  }
0x133: {  	s5 =	sshll.u32 s10, $0x4  }
0x134: {  	s5 =	sand.u32 $0x3FFFFFF0, s5  }
0x135: {  	v4 =	vld [tilespmem:s5+$0x0];
	_ =	sdelay $0x4  }
0x136: {  	v5 =	vshll.u32 v4, $0x2  }
0x137: {  	v4 =	vand.u32 $0x7, v4;
	v5 =	vand.u32 $0xFFFFFFE0, v5  }
0x138: {  	v4 =	vor.u32 v4, v5  }
0x139: {  	v5 =	vperm.xlane v4, v1;
	_ =	sdelay $0x1  }
0x13a: {  	v5 =	vadd.s32 v2, v5;
	_ =	sdelay $0x1  }
0x13b: {  	v4 =	vperm.xlane v4, v3;
	_ =	sdelay $0x1  }
0x13c: {  	v4 =	vadd.s32 v2, v4  }
0x13d: {  	[tilespmem:s26], [sflag:$0x6] =	stream.indirect_vreg.gather [hbm4b:s4+s3], $0x80, v5, vm0, $0xb8;
	[tilespmem:$0x14400] =	vst v63  }
0x13e: {  	_ = 	snop  }
0x13f: {  	[tilespmem:s28], [sflag:$0x6] =	stream.indirect_vreg.gather [hbm4b:s11+s3], $0x80, v5, vm0, $0xb8;
	[tilespmem:$0x14400] =	vst v63  }
0x140: {  	_ = 	snop  }
0x141: {  	[tilespmem:s29], [sflag:$0x6] =	stream.indirect_vreg.gather [hbm4b:s4+s3], $0x80, v4, vm0, $0xb8;
	[tilespmem:$0x14400] =	vst v63  }
0x142: {  	s25 =	rddreg [dreg:$0x8]  }
0x143: {  	[tilespmem:s30], [sflag:$0x6] =	stream.indirect_vreg.gather [hbm4b:s11+s3], $0x80, v4, vm0, $0xb8;
	[tilespmem:$0x14400] =	vst v63  }
0x144: {  	s14 =	simm.s32 $0x4400;
	p0 =	seq.s32 s15, $0xF;
	s5 =	sadd.s32 s19, s25  }
0x145: {  	[hbm4b:s5+s3] =	stream.linear.scatter [tilespmem:s14], [sflag:$0x8], $0x4000, $0x38;
	[tilespmem:$0x14400] =	vst v63  }
0x146: {  	s5 =	simm.s32 @!p0 $0x7  }
0x147: {  	_ =	swait.ge @!p0 [sflag:s5], $0x4000  }
0x148: {  	s19 =	sadd.s32 $0x4, s1;
	[sflag:s5] =	ssyncset.done @!p0 $0x0  }
0x149: {  	[sflag:s5] =	ssyncadd.s32 @!p0 $0xFFFFC000;
	s5 =	sshll.u32 @!p0 s19, $0xB  }
0x14a: {  	s21 =	simm.s32 @!p0 $0x400;
	s14 =	simm.s32 @!p0 $0x0;
	s5 =	sadd.s32 @!p0 s5, s7  }
0x14b: {  	[tilespmem:s21], [sflag:$0x1] =	stream.linear.gather @!p0 [hbm4b:s5+s14], $0x4000, $0x38;
	[tilespmem:$0x14400] =	vst v63  }
0x14c: {  	_ =	swait.ge [sflag:s8], $0x4000  }
0x14d: {  	[sflag:s8] =	ssyncset.done $0x0  }
0x14e: {  	[sflag:s8] =	ssyncadd.s32 $0xFFFFC000  }
0x14f: {  	_ =	swait.ge [sflag:s0], $0x2000  }
0x150: {  	[sflag:s0] =	ssyncset.done $0x0  }
0x151: {  	s22 =	simm.s32 $0x0;
	s21 =	simm.s32 $0x0;
	[sflag:s0] =	ssyncadd.s32 $0xFFFFE000  }
.LBB2_13:
0x152: {  	s5 =	sand.u32 $0x7, s21  }
0x153: {  	s5 =	sshll.u32 s5, $0x9  }
0x154: {  	s23 =	sshrl.u32 s5, $0x2  }
0x155: {  	v4 =	vmov s23;
	_ =	sdelay $0x1  }
0x156: {  	s24 =	sshll.u32 s22, $0x9  }
0x157: {  	s5 =	sand.u32 $0x3FFFF000, s24  }
0x158: {  	s24 =	sadd.s32 $0x10440, s5  }
0x159: {  	v5 =	vld.idx.msk [tilespmem:v4+s24+$0xFFFFFFC0 ss:$0x1], $0xffff;
	_ =	sdelay $0x1  }
0x15a: {  	s25 =	sshll.u32 s22, $0xA  }
0x15b: {  	s5 =	sand.u32 $0x3FFFE000, s25  }
0x15c: {  	s25 =	sadd.s32 $0x8400, s5  }
0x15d: {  	s14 =	sadd.s32 s23, s25;
	v6 =	vshll.u32 v5, $0x10  }
0x15e: {  	v5 =	vand.u32 $0xFFFF0000, v5;
	[tilespmem:s14+$0x0] =	vst.add.f32.msk $0xffff, v6  }
0x15f: {  	[tilespmem:s14+$0x10] =	vst.add.f32.msk $0xffff, v5  }
0x160: {  	v5 =	vld.idx.msk [tilespmem:v4+s24+$0xFFFFFFD0 ss:$0x1], $0xffff;
	_ =	sdelay $0x4  }
0x161: {  	v6 =	vshll.u32 v5, $0x10  }
0x162: {  	v5 =	vand.u32 $0xFFFF0000, v5;
	[tilespmem:s14+$0x20] =	vst.add.f32.msk $0xffff, v6  }
0x163: {  	[tilespmem:s14+$0x30] =	vst.add.f32.msk $0xffff, v5  }
0x164: {  	v5 =	vld.idx.msk [tilespmem:v4+s24+$0xFFFFFFE0 ss:$0x1], $0xffff;
	_ =	sdelay $0x4  }
0x165: {  	v6 =	vshll.u32 v5, $0x10  }
0x166: {  	v5 =	vand.u32 $0xFFFF0000, v5;
	[tilespmem:s14+$0x40] =	vst.add.f32.msk $0xffff, v6  }
0x167: {  	[tilespmem:s14+$0x50] =	vst.add.f32.msk $0xffff, v5  }
0x168: {  	v5 =	vld.idx.msk [tilespmem:v4+s24+$0xFFFFFFF0 ss:$0x1], $0xffff;
	_ =	sdelay $0x4  }
0x169: {  	v6 =	vshll.u32 v5, $0x10  }
0x16a: {  	v5 =	vand.u32 $0xFFFF0000, v5;
	[tilespmem:s14+$0x60] =	vst.add.f32.msk $0xffff, v6  }
0x16b: {  	[tilespmem:s14+$0x70] =	vst.add.f32.msk $0xffff, v5  }
0x16c: {  	v5 =	vld.idx.msk [tilespmem:v4+s24+$0x0 ss:$0x1], $0xffff;
	_ =	sdelay $0x4  }
0x16d: {  	v6 =	vshll.u32 v5, $0x10  }
0x16e: {  	v5 =	vand.u32 $0xFFFF0000, v5;
	[tilespmem:s14+$0x400] =	vst.add.f32.msk $0xffff, v6  }
0x16f: {  	[tilespmem:s14+$0x410] =	vst.add.f32.msk $0xffff, v5  }
0x170: {  	v5 =	vld.idx.msk [tilespmem:v4+s24+$0x10 ss:$0x1], $0xffff;
	_ =	sdelay $0x4  }
0x171: {  	v6 =	vshll.u32 v5, $0x10  }
0x172: {  	v5 =	vand.u32 $0xFFFF0000, v5;
	[tilespmem:s14+$0x420] =	vst.add.f32.msk $0xffff, v6  }
0x173: {  	[tilespmem:s14+$0x430] =	vst.add.f32.msk $0xffff, v5  }
0x174: {  	v5 =	vld.idx.msk [tilespmem:v4+s24+$0x20 ss:$0x1], $0xffff;
	_ =	sdelay $0x4  }
0x175: {  	v6 =	vshll.u32 v5, $0x10  }
0x176: {  	v5 =	vand.u32 $0xFFFF0000, v5;
	[tilespmem:s14+$0x440] =	vst.add.f32.msk $0xffff, v6  }
0x177: {  	s5 =	simm.s32 $0x0;
	[tilespmem:s14+$0x450] =	vst.add.f32.msk $0xffff, v5  }
.LBB2_14:
0x178: {  	s5 =	sadd.s32 $0x8, s5;
	v5 =	vld.idx.msk [tilespmem:v4+s24+$0x30 ss:$0x1], $0xffff;
	s25 =	sadd.s32 $0x800, s25;
	s24 =	sadd.s32 $0x400, s24  }
0x179: {  	p1 =	slt.u32 s5, $0x18;
	_ =	sdelay $0x4  }
0x17a: {  	v6 =	vshll.u32 v5, $0x10;
	v5 =	vand.u32 $0xFFFF0000, v5  }
0x17b: {  	[tilespmem:s14+$0x460] =	vst.add.f32.msk $0xffff, v6  }
0x17c: {  	[tilespmem:s14+$0x470] =	vst.add.f32.msk $0xffff, v5  }
0x17d: {  	v5 =	vld.idx.msk [tilespmem:v4+s24+$0xFFFFFFC0 ss:$0x1], $0xffff;
	_ =	sdelay $0x5  }
0x17e: {  	s14 =	sadd.s32 s23, s25;
	v6 =	vshll.u32 v5, $0x10;
	v5 =	vand.u32 $0xFFFF0000, v5  }
0x17f: {  	[tilespmem:s14+$0x0] =	vst.add.f32.msk $0xffff, v6  }
0x180: {  	[tilespmem:s14+$0x10] =	vst.add.f32.msk $0xffff, v5  }
0x181: {  	v5 =	vld.idx.msk [tilespmem:v4+s24+$0xFFFFFFD0 ss:$0x1], $0xffff;
	_ =	sdelay $0x5  }
0x182: {  	v6 =	vshll.u32 v5, $0x10;
	v5 =	vand.u32 $0xFFFF0000, v5  }
0x183: {  	[tilespmem:s14+$0x20] =	vst.add.f32.msk $0xffff, v6  }
0x184: {  	[tilespmem:s14+$0x30] =	vst.add.f32.msk $0xffff, v5  }
0x185: {  	v5 =	vld.idx.msk [tilespmem:v4+s24+$0xFFFFFFE0 ss:$0x1], $0xffff;
	_ =	sdelay $0x5  }
0x186: {  	v6 =	vshll.u32 v5, $0x10;
	v5 =	vand.u32 $0xFFFF0000, v5  }
0x187: {  	[tilespmem:s14+$0x40] =	vst.add.f32.msk $0xffff, v6  }
0x188: {  	[tilespmem:s14+$0x50] =	vst.add.f32.msk $0xffff, v5  }
0x189: {  	v5 =	vld.idx.msk [tilespmem:v4+s24+$0xFFFFFFF0 ss:$0x1], $0xffff;
	_ =	sdelay $0x5  }
0x18a: {  	v6 =	vshll.u32 v5, $0x10;
	v5 =	vand.u32 $0xFFFF0000, v5  }
0x18b: {  	[tilespmem:s14+$0x60] =	vst.add.f32.msk $0xffff, v6  }
0x18c: {  	[tilespmem:s14+$0x70] =	vst.add.f32.msk $0xffff, v5  }
0x18d: {  	v5 =	vld.idx.msk [tilespmem:v4+s24+$0x0 ss:$0x1], $0xffff;
	_ =	sdelay $0x5  }
0x18e: {  	v6 =	vshll.u32 v5, $0x10;
	v5 =	vand.u32 $0xFFFF0000, v5  }
0x18f: {  	[tilespmem:s14+$0x400] =	vst.add.f32.msk $0xffff, v6  }
0x190: {  	[tilespmem:s14+$0x410] =	vst.add.f32.msk $0xffff, v5  }
0x191: {  	v5 =	vld.idx.msk [tilespmem:v4+s24+$0x10 ss:$0x1], $0xffff;
	_ =	sdelay $0x5  }
0x192: {  	v6 =	vshll.u32 v5, $0x10;
	v5 =	vand.u32 $0xFFFF0000, v5  }
0x193: {  	[tilespmem:s14+$0x420] =	vst.add.f32.msk $0xffff, v6  }
0x194: {  	[tilespmem:s14+$0x430] =	vst.add.f32.msk $0xffff, v5  }
0x195: {  	v5 =	vld.idx.msk [tilespmem:v4+s24+$0x20 ss:$0x1], $0xffff;
	_ =	sdelay $0x3  }
.Ltmp7:
0x196: {  	(pc) =	sbr.rel @p1 .LBB2_14-.Ltmp7, $4  }
0x197: {  	_ = 	snop  }
0x198: {  	v6 =	vshll.u32 v5, $0x10;
	v5 =	vand.u32 $0xFFFF0000, v5  }
0x199: {  	[tilespmem:s14+$0x440] =	vst.add.f32.msk $0xffff, v6  }
0x19a: {  	[tilespmem:s14+$0x450] =	vst.add.f32.msk $0xffff, v5  }
0x19b: {  	_ =	sdelay $0x3  }
0x19c: {  	v4 =	vld.idx.msk [tilespmem:v4+s24+$0x30 ss:$0x1], $0xffff  }
0x19d: {  	s22 =	sadd.s32 $0x1, s22  }
0x19e: {  	p1 =	sne.s32 s22, $0x10  }
.Ltmp8:
0x19f: {  	_ = 	snop;
	(pc) =	sbr.rel @p1 .LBB2_13-.Ltmp8, $4  }
0x1a0: {  	_ = 	snop  }
0x1a1: {  	v5 =	vshll.u32 v4, $0x10  }
0x1a2: {  	v4 =	vand.u32 $0xFFFF0000, v4;
	[tilespmem:s14+$0x460] =	vst.add.f32.msk $0xffff, v5  }
0x1a3: {  	s21 =	sadd.s32 $0x1, s21;
	[tilespmem:s14+$0x470] =	vst.add.f32.msk $0xffff, v4  }
0x1a4: {  	s5 =	sshll.u32 @!p0 s19, $0x4  }
0x1a5: {  	s5 =	sand.u32 @!p0 $0x3FFFFFF0, s5  }
0x1a6: {  	v4 =	vld @!p0 [tilespmem:s5+$0x0];
	_ =	sdelay $0x4  }
0x1a7: {  	v5 =	vshll.u32 @!p0 v4, $0x2  }
0x1a8: {  	v6 =	vlaneseq.u32 @!p0;
	v4 =	vand.u32 @!p0 $0x7, v4;
	v5 =	vand.u32 @!p0 $0xFFFFFFE0, v5  }
0x1a9: {  	v7 =	vshrl.u32 @!p0 v6, $0x3;
	v4 =	vor.u32 @!p0 v4, v5;
	v5 =	vand.u32 @!p0 $0x7, v6  }
0x1aa: {  	v7 =	vmul.u32 @!p0 $0x8, v7;
	v5 =	vperm.xlane @!p0 v4, v5;
	_ =	sdelay $0x1  }
0x1ab: {  	v5 =	vadd.s32 @!p0 v7, v5  }
0x1ac: {  	v6 =	vor.u32 @!p0 $0x8, v6  }
0x1ad: {  	v4 =	vperm.xlane @!p0 v4, v6;
	_ =	sdelay $0x1  }
0x1ae: {  	vm1 =	vmmov @!p0 $0xffff;
	s14 =	simm.s32 @!p0 $0x10400;
	s5 =	simm.s32 @!p0 $0x0;
	v4 =	vadd.s32 @!p0 v7, v4  }
0x1af: {  	[tilespmem:s14], [sflag:$0x5] =	stream.indirect_vreg.gather @!p0 [hbm4b:s4+s5], $0x80, v5, vm1, $0xb8;
	[tilespmem:$0x14400] =	vst v63  }
0x1b0: {  	s14 =	simm.s32 @!p0 $0x10C00  }
0x1b1: {  	[tilespmem:s14], [sflag:$0x5] =	stream.indirect_vreg.gather @!p0 [hbm4b:s11+s5], $0x80, v5, vm1, $0xb8;
	[tilespmem:$0x14400] =	vst v63  }
0x1b2: {  	s14 =	simm.s32 @!p0 $0x11400  }
0x1b3: {  	[tilespmem:s14], [sflag:$0x5] =	stream.indirect_vreg.gather @!p0 [hbm4b:s4+s5], $0x80, v4, vm1, $0xb8;
	[tilespmem:$0x14400] =	vst v63  }
0x1b4: {  	s25 =	sshll.u32 s18, $0xB;
	s14 =	simm.s32 @!p0 $0x11C00  }
0x1b5: {  	[tilespmem:s14], [sflag:$0x5] =	stream.indirect_vreg.gather @!p0 [hbm4b:s11+s5], $0x80, v4, vm1, $0xb8;
	[tilespmem:$0x14400] =	vst v63  }
0x1b6: {  	s14 =	sadd.s32 s25, s13  }
0x1b7: {  	[hbm4b:s14+s3] =	stream.linear.scatter [tilespmem:s20], [sflag:$0x9], $0x4000, $0x38;
	[tilespmem:$0x14400] =	vst v63  }
0x1b8: {  	s14 =	simm.s32 @!p0 $0x8  }
0x1b9: {  	s1 =	sadd.s32 $0x5, s1;
	_ =	swait.ge @!p0 [sflag:s14], $0x4000  }
0x1ba: {  	s18 =	sshll.u32 @!p0 s1, $0xB;
	[sflag:s14] =	ssyncset.done @!p0 $0x0  }
0x1bb: {  	[sflag:s14] =	ssyncadd.s32 @!p0 $0xFFFFC000;
	s14 =	sadd.s32 @!p0 s18, s7;
	s18 =	simm.s32 @!p0 $0x4400  }
0x1bc: {  	[tilespmem:s18], [sflag:$0x2] =	stream.linear.gather @!p0 [hbm4b:s14+s5], $0x4000, $0x38;
	[tilespmem:$0x14400] =	vst v63  }
0x1bd: {  	_ =	swait.ge [sflag:s9], $0x4000  }
0x1be: {  	[sflag:s9] =	ssyncset.done $0x0  }
0x1bf: {  	[sflag:s9] =	ssyncadd.s32 $0xFFFFC000  }
0x1c0: {  	_ =	swait.ge [sflag:s6], $0x2000  }
0x1c1: {  	[sflag:s6] =	ssyncset.done $0x0  }
0x1c2: {  	s19 =	simm.s32 $0x0;
	s18 =	simm.s32 $0x0;
	[sflag:s6] =	ssyncadd.s32 $0xFFFFE000  }
.LBB2_17:
0x1c3: {  	s5 =	sand.u32 $0x7, s18  }
0x1c4: {  	s5 =	sshll.u32 s5, $0x9  }
0x1c5: {  	s21 =	sshrl.u32 s5, $0x2  }
0x1c6: {  	v4 =	vmov s21;
	_ =	sdelay $0x1  }
0x1c7: {  	s24 =	sshll.u32 s19, $0x9  }
0x1c8: {  	s5 =	sand.u32 $0x3FFFF000, s24  }
0x1c9: {  	s22 =	sadd.s32 $0x12440, s5  }
0x1ca: {  	v5 =	vld.idx.msk [tilespmem:v4+s22+$0xFFFFFFC0 ss:$0x1], $0xffff;
	_ =	sdelay $0x1  }
0x1cb: {  	s25 =	sshll.u32 s19, $0xA  }
0x1cc: {  	s5 =	sand.u32 $0x3FFFE000, s25  }
0x1cd: {  	s23 =	sadd.s32 $0xC400, s5  }
0x1ce: {  	s14 =	sadd.s32 s21, s23;
	v6 =	vshll.u32 v5, $0x10  }
0x1cf: {  	v5 =	vand.u32 $0xFFFF0000, v5;
	[tilespmem:s14+$0x0] =	vst.add.f32.msk $0xffff, v6  }
0x1d0: {  	[tilespmem:s14+$0x10] =	vst.add.f32.msk $0xffff, v5  }
0x1d1: {  	v5 =	vld.idx.msk [tilespmem:v4+s22+$0xFFFFFFD0 ss:$0x1], $0xffff;
	_ =	sdelay $0x4  }
0x1d2: {  	v6 =	vshll.u32 v5, $0x10  }
0x1d3: {  	v5 =	vand.u32 $0xFFFF0000, v5;
	[tilespmem:s14+$0x20] =	vst.add.f32.msk $0xffff, v6  }
0x1d4: {  	[tilespmem:s14+$0x30] =	vst.add.f32.msk $0xffff, v5  }
0x1d5: {  	v5 =	vld.idx.msk [tilespmem:v4+s22+$0xFFFFFFE0 ss:$0x1], $0xffff;
	_ =	sdelay $0x4  }
0x1d6: {  	v6 =	vshll.u32 v5, $0x10  }
0x1d7: {  	v5 =	vand.u32 $0xFFFF0000, v5;
	[tilespmem:s14+$0x40] =	vst.add.f32.msk $0xffff, v6  }
0x1d8: {  	[tilespmem:s14+$0x50] =	vst.add.f32.msk $0xffff, v5  }
0x1d9: {  	v5 =	vld.idx.msk [tilespmem:v4+s22+$0xFFFFFFF0 ss:$0x1], $0xffff;
	_ =	sdelay $0x4  }
0x1da: {  	v6 =	vshll.u32 v5, $0x10  }
0x1db: {  	v5 =	vand.u32 $0xFFFF0000, v5;
	[tilespmem:s14+$0x60] =	vst.add.f32.msk $0xffff, v6  }
0x1dc: {  	[tilespmem:s14+$0x70] =	vst.add.f32.msk $0xffff, v5  }
0x1dd: {  	v5 =	vld.idx.msk [tilespmem:v4+s22+$0x0 ss:$0x1], $0xffff;
	_ =	sdelay $0x4  }
0x1de: {  	v6 =	vshll.u32 v5, $0x10  }
0x1df: {  	v5 =	vand.u32 $0xFFFF0000, v5;
	[tilespmem:s14+$0x400] =	vst.add.f32.msk $0xffff, v6  }
0x1e0: {  	[tilespmem:s14+$0x410] =	vst.add.f32.msk $0xffff, v5  }
0x1e1: {  	v5 =	vld.idx.msk [tilespmem:v4+s22+$0x10 ss:$0x1], $0xffff;
	_ =	sdelay $0x4  }
0x1e2: {  	v6 =	vshll.u32 v5, $0x10  }
0x1e3: {  	v5 =	vand.u32 $0xFFFF0000, v5;
	[tilespmem:s14+$0x420] =	vst.add.f32.msk $0xffff, v6  }
0x1e4: {  	[tilespmem:s14+$0x430] =	vst.add.f32.msk $0xffff, v5  }
0x1e5: {  	v5 =	vld.idx.msk [tilespmem:v4+s22+$0x20 ss:$0x1], $0xffff;
	_ =	sdelay $0x4  }
0x1e6: {  	v6 =	vshll.u32 v5, $0x10  }
0x1e7: {  	v5 =	vand.u32 $0xFFFF0000, v5;
	[tilespmem:s14+$0x440] =	vst.add.f32.msk $0xffff, v6  }
0x1e8: {  	s5 =	simm.s32 $0x0;
	[tilespmem:s14+$0x450] =	vst.add.f32.msk $0xffff, v5  }
.LBB2_18:
0x1e9: {  	s5 =	sadd.s32 $0x8, s5;
	v5 =	vld.idx.msk [tilespmem:v4+s22+$0x30 ss:$0x1], $0xffff;
	s23 =	sadd.s32 $0x800, s23;
	s22 =	sadd.s32 $0x400, s22  }
0x1ea: {  	p1 =	slt.u32 s5, $0x18;
	_ =	sdelay $0x4  }
0x1eb: {  	v6 =	vshll.u32 v5, $0x10;
	v5 =	vand.u32 $0xFFFF0000, v5  }
0x1ec: {  	[tilespmem:s14+$0x460] =	vst.add.f32.msk $0xffff, v6  }
0x1ed: {  	[tilespmem:s14+$0x470] =	vst.add.f32.msk $0xffff, v5  }
0x1ee: {  	v5 =	vld.idx.msk [tilespmem:v4+s22+$0xFFFFFFC0 ss:$0x1], $0xffff;
	_ =	sdelay $0x5  }
0x1ef: {  	s14 =	sadd.s32 s21, s23;
	v6 =	vshll.u32 v5, $0x10;
	v5 =	vand.u32 $0xFFFF0000, v5  }
0x1f0: {  	[tilespmem:s14+$0x0] =	vst.add.f32.msk $0xffff, v6  }
0x1f1: {  	[tilespmem:s14+$0x10] =	vst.add.f32.msk $0xffff, v5  }
0x1f2: {  	v5 =	vld.idx.msk [tilespmem:v4+s22+$0xFFFFFFD0 ss:$0x1], $0xffff;
	_ =	sdelay $0x5  }
0x1f3: {  	v6 =	vshll.u32 v5, $0x10;
	v5 =	vand.u32 $0xFFFF0000, v5  }
0x1f4: {  	[tilespmem:s14+$0x20] =	vst.add.f32.msk $0xffff, v6  }
0x1f5: {  	[tilespmem:s14+$0x30] =	vst.add.f32.msk $0xffff, v5  }
0x1f6: {  	v5 =	vld.idx.msk [tilespmem:v4+s22+$0xFFFFFFE0 ss:$0x1], $0xffff;
	_ =	sdelay $0x5  }
0x1f7: {  	v6 =	vshll.u32 v5, $0x10;
	v5 =	vand.u32 $0xFFFF0000, v5  }
0x1f8: {  	[tilespmem:s14+$0x40] =	vst.add.f32.msk $0xffff, v6  }
0x1f9: {  	[tilespmem:s14+$0x50] =	vst.add.f32.msk $0xffff, v5  }
0x1fa: {  	v5 =	vld.idx.msk [tilespmem:v4+s22+$0xFFFFFFF0 ss:$0x1], $0xffff;
	_ =	sdelay $0x5  }
0x1fb: {  	v6 =	vshll.u32 v5, $0x10;
	v5 =	vand.u32 $0xFFFF0000, v5  }
0x1fc: {  	[tilespmem:s14+$0x60] =	vst.add.f32.msk $0xffff, v6  }
0x1fd: {  	[tilespmem:s14+$0x70] =	vst.add.f32.msk $0xffff, v5  }
0x1fe: {  	v5 =	vld.idx.msk [tilespmem:v4+s22+$0x0 ss:$0x1], $0xffff;
	_ =	sdelay $0x5  }
0x1ff: {  	v6 =	vshll.u32 v5, $0x10;
	v5 =	vand.u32 $0xFFFF0000, v5  }
0x200: {  	[tilespmem:s14+$0x400] =	vst.add.f32.msk $0xffff, v6  }
0x201: {  	[tilespmem:s14+$0x410] =	vst.add.f32.msk $0xffff, v5  }
0x202: {  	v5 =	vld.idx.msk [tilespmem:v4+s22+$0x10 ss:$0x1], $0xffff;
	_ =	sdelay $0x5  }
0x203: {  	v6 =	vshll.u32 v5, $0x10;
	v5 =	vand.u32 $0xFFFF0000, v5  }
0x204: {  	[tilespmem:s14+$0x420] =	vst.add.f32.msk $0xffff, v6  }
0x205: {  	[tilespmem:s14+$0x430] =	vst.add.f32.msk $0xffff, v5  }
0x206: {  	v5 =	vld.idx.msk [tilespmem:v4+s22+$0x20 ss:$0x1], $0xffff;
	_ =	sdelay $0x3  }
.Ltmp9:
0x207: {  	(pc) =	sbr.rel @p1 .LBB2_18-.Ltmp9, $4  }
0x208: {  	_ = 	snop  }
0x209: {  	v6 =	vshll.u32 v5, $0x10;
	v5 =	vand.u32 $0xFFFF0000, v5  }
0x20a: {  	[tilespmem:s14+$0x440] =	vst.add.f32.msk $0xffff, v6  }
0x20b: {  	[tilespmem:s14+$0x450] =	vst.add.f32.msk $0xffff, v5  }
0x20c: {  	_ =	sdelay $0x3  }
0x20d: {  	v4 =	vld.idx.msk [tilespmem:v4+s22+$0x30 ss:$0x1], $0xffff  }
0x20e: {  	s19 =	sadd.s32 $0x1, s19  }
0x20f: {  	p1 =	sne.s32 s19, $0x10  }
.Ltmp10:
0x210: {  	_ = 	snop;
	(pc) =	sbr.rel @p1 .LBB2_17-.Ltmp10, $4  }
0x211: {  	_ = 	snop  }
0x212: {  	v5 =	vshll.u32 v4, $0x10  }
0x213: {  	v4 =	vand.u32 $0xFFFF0000, v4;
	[tilespmem:s14+$0x460] =	vst.add.f32.msk $0xffff, v5  }
0x214: {  	s18 =	sadd.s32 $0x1, s18;
	[tilespmem:s14+$0x470] =	vst.add.f32.msk $0xffff, v4  }
.Ltmp11:
0x215: {  	(pc) =	sbr.rel @p0 .LBB2_22-.Ltmp11, $1  }
0x216: {  	_ =	sdelay $0x3  }
0x217: {  	s1 =	sshll.u32 s1, $0x4  }
0x218: {  	s1 =	sand.u32 $0x3FFFFFF0, s1  }
0x219: {  	v4 =	vld [tilespmem:s1+$0x0];
	_ =	sdelay $0x4  }
0x21a: {  	v5 =	vshll.u32 v4, $0x2  }
0x21b: {  	v4 =	vand.u32 $0x7, v4;
	v5 =	vand.u32 $0xFFFFFFE0, v5  }
0x21c: {  	v4 =	vor.u32 v4, v5  }
0x21d: {  	v5 =	vperm.xlane v4, v1;
	_ =	sdelay $0x1  }
0x21e: {  	v5 =	vadd.s32 v2, v5;
	_ =	sdelay $0x1  }
0x21f: {  	v4 =	vperm.xlane v4, v3;
	_ =	sdelay $0x1  }
0x220: {  	v4 =	vadd.s32 v2, v4  }
0x221: {  	[tilespmem:s26], [sflag:$0x6] =	stream.indirect_vreg.gather [hbm4b:s4+s3], $0x80, v5, vm0, $0xb8;
	[tilespmem:$0x14400] =	vst v63  }
0x222: {  	_ = 	snop  }
0x223: {  	[tilespmem:s28], [sflag:$0x6] =	stream.indirect_vreg.gather [hbm4b:s11+s3], $0x80, v5, vm0, $0xb8;
	[tilespmem:$0x14400] =	vst v63  }
0x224: {  	_ = 	snop  }
0x225: {  	[tilespmem:s29], [sflag:$0x6] =	stream.indirect_vreg.gather [hbm4b:s4+s3], $0x80, v4, vm0, $0xb8;
	[tilespmem:$0x14400] =	vst v63  }
0x226: {  	s24 =	sshll.u32 s10, $0xB  }
0x227: {  	[tilespmem:s30], [sflag:$0x6] =	stream.indirect_vreg.gather [hbm4b:s11+s3], $0x80, v4, vm0, $0xb8;
	[tilespmem:$0x14400] =	vst v63  }
0x228: {  	s5 =	simm.s32 $0xC400;
	s1 =	sadd.s32 s24, s13  }
0x229: {  	[hbm4b:s1+s3] =	stream.linear.scatter [tilespmem:s5], [sflag:$0xA], $0x4000, $0x38;
	[tilespmem:$0x14400] =	vst v63  }
.Ltmp12:
0x22a: {  	_ = 	snop;
	(pc) =	sbr.rel .LBB2_4-.Ltmp12, $4  }
0x22b: {  	_ =	swait.ge [sflag:s16], $0x4000  }
0x22c: {  	[sflag:s16] =	ssyncset.done $0x0;
	s25 =	rddreg [dreg:$0x9]  }
0x22d: {  	s15 =	sadd.s32 $0x1, s15;
	[sflag:s16] =	ssyncadd.s32 $0xFFFFC000;
	s1 =	sadd.s32 s17, s25  }
0x22e: {  	[tilespmem:s20], [sflag:$0x3] =	stream.linear.gather [hbm4b:s1+s3], $0x4000, $0x38;
	[tilespmem:$0x14400] =	vst v63  }
.LBB2_23:
0x22f: {  	_ =	sfence.sel $0x180000  }
0x230: {  	[bflag:$0x0] =	sbarrier.arrive $0xFFFF  }
0x231: {  	_ =	strace $0x90000047  }
0x232: {  	s0 =	stileid.u32;
	[bflag:$0x2] =	sbarrier.arrive $0xFFFF  }
0x233: {  	p0 =	sne.s32 s0, $0x0;
	s0 =	rddreg [dreg:$0x3]  }
0x234: {  	s0 =	sadd.s32 @!p0 $0x100000, s0  }
0x235: {  	[sflag:s0] =	ssyncadd.tile.s32 @!p0 $0x1;
	_ =	shalt  }
.Lfunc_end2:
_tile_overlayer_lowered:
.L_overlay_start_2:
0x236: {  	(tag) =	ssettag $0x2  }
0x237: {  	s0 =	rddreg [dreg:$0x0];
	s2 =	stileid.u32  }
0x238: {  	s1 =	rddreg [dreg:$0x1];
	p0 =	sne.s32 s2, $0x0  }
0x239: {  	s3 =	rddreg [dreg:$0x2];
	[bflag:$0x3] =	sbarrier.arrive $0xFFFF;
	s2 =	simm.s32 @!p0 $0x1C0B  }
0x23a: {  	[timem:s3], [sflag:s2] =	dma.local @!p0 [hbm:s0], s1  }
0x23b: {  	s0 =	simm.s32 @!p0 $0xB  }
0x23c: {  	_ =	swait.ge @!p0 [sflag:s0], s1  }
0x23d: {  	s1 =	ssub.s32 @!p0 $0x0, s1;
	[sflag:s0] =	ssyncset.done @!p0 $0x0  }
0x23e: {  	[sflag:s0] =	ssyncadd.s32 @!p0 s1  }
0x23f: {  	[bflag:$0x3] =	sbarrier.arrive $0xFFFF  }
0x240: {  	_ =	shalt  }

</sc_bundles>
